<compile_context>
chip_gen: v7x
topology: tpu7x:2x2x1
jax: 0.10.2.dev20260603
libtpu: 0.0.44.dev20260713+nightly
codegen_flags: <defaults>
</compile_context>

<pallas_src>
import functools

import jax
import jax.numpy as jnp
import numpy as np
from jax.experimental import pallas as pl
from jax.experimental.pallas import tpu as pltpu
from jax.experimental.pallas import tpu_sc as plsc

KNN_K = 32
NEG_INF_I32 = np.int32(-(2**31))


def _proj_body(xp_ref, wl_ref, wr_ref, zn_ref, xl_ref, xr_ref):
    xa = xp_ref[...]
    nrm = jnp.sqrt(jnp.sum(xa * xa, axis=1, keepdims=True))
    zn_ref[...] = xa / (nrm + 1e-12)
    xl_ref[...] = jnp.dot(xa, wl_ref[...], preferred_element_type=jnp.float32)
    xr_ref[...] = jnp.dot(xa, wr_ref[...], preferred_element_type=jnp.float32)


def _normalize_and_project(xp, wl, wr):
    npad, d = xp.shape
    f32 = jnp.float32
    return pl.pallas_call(
        _proj_body,
        out_shape=[
            jax.ShapeDtypeStruct((npad, d), f32),
            jax.ShapeDtypeStruct((npad, wl.shape[1]), f32),
            jax.ShapeDtypeStruct((npad, wr.shape[1]), f32),
        ],
    )(xp, wl, wr)


def _topk_body(n_valid, pre_k, znb_ref, znt_ref, idx_ref, key_ref):
    r = znb_ref.shape[0]
    npad = znt_ref.shape[1]
    sim = jnp.dot(znb_ref[...], znt_ref[...], preferred_element_type=jnp.float32)
    b = jax.lax.bitcast_convert_type(sim, jnp.int32)
    key_ref[...] = jnp.where(b >= 0, b, b ^ jnp.int32(0x7FFFFFFF)) & jnp.int32(-128)
    lane = jax.lax.broadcasted_iota(jnp.int32, (r, 128), 1)
    full_ch = n_valid // 128
    part = n_valid - full_ch * 128

    def _insert(xv, regs):
        out = []
        for i in range(pre_k):
            out.append(jnp.maximum(regs[i], xv))
            if i + 1 < pre_k:
                xv = jnp.minimum(regs[i], xv)
        return tuple(out)

    def _chunk_body(v, regs):
        xv = key_ref[:, pl.ds(v * 128, 128)] | v
        return _insert(xv, regs)

    regs = tuple(
        jnp.full((r, 128), NEG_INF_I32, jnp.int32) for _ in range(pre_k)
    )
    regs = jax.lax.fori_loop(0, full_ch, _chunk_body, regs)
    if part:
        xv = key_ref[:, pl.ds(full_ch * 128, 128)] | jnp.int32(full_ch)
        xv = jnp.where(lane < part, xv, NEG_INF_I32)
        regs = _insert(xv, regs)
    c = jnp.stack(regs, axis=1)
    neg_tail = jnp.full((r, 1, 128), NEG_INF_I32, jnp.int32)
    acc = jnp.zeros((r, 128), jnp.int32)
    for t in range(KNN_K):
        head = c[:, 0, :]
        m = jnp.max(head, axis=1, keepdims=True)
        jsel = jnp.min(
            jnp.where(head == m, lane, jnp.int32(1 << 20)), axis=1, keepdims=True
        )
        col = (m & jnp.int32(127)) * 128 + jsel
        acc = jnp.where(lane == t, col, acc)
        if t + 1 < KNN_K:
            shifted = jnp.concatenate([c[:, 1:, :], neg_tail], axis=1)
            c = jnp.where((lane == jsel)[:, None, :], shifted, c)
    idx_ref[...] = acc[:, :KNN_K]


def _knn_topk(zn, znt, n_valid, row_block=128, pre_k=8):
    npad = zn.shape[0]
    grid = npad // row_block
    return pl.pallas_call(
        functools.partial(_topk_body, n_valid, pre_k),
        grid=(grid,),
        in_specs=[
            pl.BlockSpec((row_block, zn.shape[1]), lambda i: (i, 0)),
            pl.BlockSpec(znt.shape, lambda i: (0, 0)),
        ],
        out_specs=pl.BlockSpec((row_block, KNN_K), lambda i: (i, 0)),
        out_shape=jax.ShapeDtypeStruct((npad, KNN_K), jnp.int32),
        scratch_shapes=[pltpu.VMEM((row_block, npad), jnp.int32)],
    )(zn, znt)


def _sc_gather(table, idx_flat, chunk=128, nslot=4):
    num = idx_flat.shape[0]
    dim = table.shape[1]
    nworkers = 32
    per_w = num // nworkers
    sup = chunk * nslot
    n_sup = per_w // sup
    mesh = plsc.VectorSubcoreMesh(core_axis_name="c", subcore_axis_name="s")

    @functools.partial(
        pl.kernel,
        mesh=mesh,
        out_type=jax.ShapeDtypeStruct((num, dim), table.dtype),
        scratch_types=[
            pltpu.VMEM((sup,), jnp.int32),
            pltpu.VMEM((sup, dim), table.dtype),
            pltpu.SemaphoreType.DMA,
        ],
    )
    def kern(table_hbm, idx_hbm, out_hbm, idx_v, rows_v, sem):
        wid = jax.lax.axis_index("s") * 2 + jax.lax.axis_index("c")
        base = wid * per_w

        @pl.loop(0, n_sup)
        def _(c):
            off = base + c * sup
            pltpu.sync_copy(idx_hbm.at[pl.ds(off, sup)], idx_v)
            cps = [
                pltpu.async_copy(
                    table_hbm.at[idx_v.at[pl.ds(k * chunk, chunk)]],
                    rows_v.at[pl.ds(k * chunk, chunk)],
                    sem,
                )
                for k in range(nslot)
            ]
            for cp in cps:
                cp.wait()
            pltpu.sync_copy(rows_v, out_hbm.at[pl.ds(off, sup)])

    return kern(table, idx_flat)


def _leaky(v):
    return jnp.where(v > 0, v, 0.2 * v)


def _gat1_body(bsz, g_ref, xr_ref, a1s_ref, b1s_ref, b1_ref, w2r_ref,
               h_ref, xr2_ref):
    d = g_ref.shape[1]
    nh = a1s_ref.shape[1]
    g = g_ref[...]
    xr_e = jnp.broadcast_to(
        xr_ref[...][:, None, :], (bsz, KNN_K, d)
    ).reshape(bsz * KNN_K, d)
    e = _leaky(g + xr_e)
    logit = jnp.dot(e, a1s_ref[...], preferred_element_type=jnp.float32)
    ew = jnp.exp(logit).reshape(bsz, KNN_K, nh)
    s = jnp.sum(ew, axis=1, keepdims=True)
    al = (ew / (s + 1e-16)).reshape(bsz * KNN_K, nh)
    alx = jnp.dot(al, b1s_ref[...], preferred_element_type=jnp.float32)
    out = jnp.sum((alx * g).reshape(bsz, KNN_K, d), axis=1)
    h = jnp.maximum(out + b1_ref[...], 0.0)
    h_ref[...] = h
    xr2_ref[...] = jnp.dot(h, w2r_ref[...], preferred_element_type=jnp.float32)


def _gat_layer1(g1, xr1, a1s, b1s, b1r, w2r, bsz=256):
    npad, d = xr1.shape
    d2 = w2r.shape[1]
    grid = npad // bsz
    f32 = jnp.float32
    return pl.pallas_call(
        functools.partial(_gat1_body, bsz),
        grid=(grid,),
        in_specs=[
            pl.BlockSpec((bsz * KNN_K, d), lambda i: (i, 0)),
            pl.BlockSpec((bsz, d), lambda i: (i, 0)),
            pl.BlockSpec(a1s.shape, lambda i: (0, 0)),
            pl.BlockSpec(b1s.shape, lambda i: (0, 0)),
            pl.BlockSpec(b1r.shape, lambda i: (0, 0)),
            pl.BlockSpec(w2r.shape, lambda i: (0, 0)),
        ],
        out_specs=[
            pl.BlockSpec((bsz, d), lambda i: (i, 0)),
            pl.BlockSpec((bsz, d2), lambda i: (i, 0)),
        ],
        out_shape=[
            jax.ShapeDtypeStruct((npad, d), f32),
            jax.ShapeDtypeStruct((npad, d2), f32),
        ],
    )(g1, xr1, a1s, b1s, b1r, w2r)


def _gat2_body(bsz, heads, gh_ref, w2l_ref, xr_ref, a2s_ref, b2s_ref, b2_ref,
               z_ref):
    d2 = xr_ref.shape[1]
    nh = a2s_ref.shape[1]
    oc = d2 // heads
    g = jnp.dot(gh_ref[...], w2l_ref[...], preferred_element_type=jnp.float32)
    xr_e = jnp.broadcast_to(
        xr_ref[...][:, None, :], (bsz, KNN_K, d2)
    ).reshape(bsz * KNN_K, d2)
    e = _leaky(g + xr_e)
    logit = jnp.dot(e, a2s_ref[...], preferred_element_type=jnp.float32)
    ew = jnp.exp(logit).reshape(bsz, KNN_K, nh)
    s = jnp.sum(ew, axis=1, keepdims=True)
    al = (ew / (s + 1e-16)).reshape(bsz * KNN_K, nh)
    alx = jnp.dot(al, b2s_ref[...], preferred_element_type=jnp.float32)
    w = jnp.sum((alx * g).reshape(bsz, KNN_K, d2), axis=1)
    acc = w[:, 0:oc]
    for hh in range(1, heads):
        acc = acc + w[:, hh * oc:(hh + 1) * oc]
    z_ref[...] = acc * (1.0 / heads) + b2_ref[...]


def _gat_layer2(g2h, w2l, xr2, a2s, b2s, b2r, heads, bsz=128):
    npad, d2 = xr2.shape
    d = g2h.shape[1]
    oc = d2 // heads
    grid = npad // bsz
    return pl.pallas_call(
        functools.partial(_gat2_body, bsz, heads),
        grid=(grid,),
        in_specs=[
            pl.BlockSpec((bsz * KNN_K, d), lambda i: (i, 0)),
            pl.BlockSpec(w2l.shape, lambda i: (0, 0)),
            pl.BlockSpec((bsz, d2), lambda i: (i, 0)),
            pl.BlockSpec(a2s.shape, lambda i: (0, 0)),
            pl.BlockSpec(b2s.shape, lambda i: (0, 0)),
            pl.BlockSpec(b2r.shape, lambda i: (0, 0)),
        ],
        out_specs=pl.BlockSpec((bsz, oc), lambda i: (i, 0)),
        out_shape=jax.ShapeDtypeStruct((npad, oc), jnp.float32),
    )(g2h, w2l, xr2, a2s, b2s, b2r)


def _spread_att(a, nh_pad=8):
    heads, oc = a.shape
    eye = jnp.eye(heads, nh_pad, dtype=a.dtype)
    return (a[:, :, None] * eye[:, None, :]).reshape(heads * oc, nh_pad)


def _head_broadcast(heads, oc, nh_pad=8):
    return jnp.repeat(jnp.eye(nh_pad, heads, dtype=jnp.float32), oc, axis=1)


def kernel(x, W1l, W1r, a1, b1, W2l, W2r, a2, b2):
    n, d = x.shape
    heads, oc1 = a1.shape
    npad = ((n + 1023) // 1024) * 1024
    xp = jnp.pad(x, ((0, npad - n), (0, 0)))

    zn, xl1, xr1 = _normalize_and_project(xp, W1l, W1r)
    idx = _knn_topk(zn, zn.T, n)
    idx_flat = idx.reshape(-1)

    g1 = _sc_gather(xl1, idx_flat)
    a1s = _spread_att(a1)
    b1s = _head_broadcast(heads, oc1)
    h, xr2 = _gat_layer1(g1, xr1, a1s, b1s, b1.reshape(1, -1), W2r)

    g2h = _sc_gather(h, idx_flat)
    a2s = _spread_att(a2)
    b2s = _head_broadcast(heads, a2.shape[1])
    z = _gat_layer2(g2h, W2l, xr2, a2s, b2s, b2.reshape(1, -1), heads)
    return (x, z[:n])

# --- scband reference (transcript-rebuilt; emitter-appended) ---
"""Pipeline reference for scband-gnn-14164802142729 (READ-ONLY COPY).

The authoritative reference and input builder live on the scoring server;
editing this copy changes nothing except your own understanding.
"""

import jax, jax.numpy as jnp
import numpy as np

N = 10000
D = 128
HEADS = 4
HID = 32  # emb_dim // 4
K = 32


def setup_inputs(seed: int = 0) -> dict:
    key = jax.random.key(seed)
    ks = jax.random.split(key, 9)
    x = jax.random.normal(ks[0], (N, D), dtype=jnp.float32)
    # GATv2 layer 1: in=D, out_per_head=HID, heads=HEADS, concat=True
    W1l = jax.random.normal(ks[1], (D, HEADS * HID), dtype=jnp.float32) * 0.05
    W1r = jax.random.normal(ks[2], (D, HEADS * HID), dtype=jnp.float32) * 0.05
    a1 = jax.random.normal(ks[3], (HEADS, HID), dtype=jnp.float32) * 0.05
    b1 = jnp.zeros((HEADS * HID,), dtype=jnp.float32)
    # GATv2 layer 2: in=HEADS*HID=D, out_per_head=D, heads=HEADS, concat=False (mean)
    W2l = jax.random.normal(ks[4], (HEADS * HID, HEADS * D), dtype=jnp.float32) * 0.05
    W2r = jax.random.normal(ks[5], (HEADS * HID, HEADS * D), dtype=jnp.float32) * 0.05
    a2 = jax.random.normal(ks[6], (HEADS, D), dtype=jnp.float32) * 0.05
    b2 = jnp.zeros((D,), dtype=jnp.float32)
    return {"x": x, "W1l": W1l, "W1r": W1r, "a1": a1, "b1": b1,
            "W2l": W2l, "W2r": W2r, "a2": a2, "b2": b2}


def _knn_graph(z, k):
    # GraphGenerator.get_graph: cosine-similarity kNN graph
    zn = z / (jnp.linalg.norm(z, axis=1, keepdims=True) + 1e-12)
    sim = zn @ zn.T
    vals, idx = jax.lax.top_k(sim, k)           # [N, k]
    n = z.shape[0]
    dst = jnp.repeat(jnp.arange(n, dtype=jnp.int32), k)
    src = idx.reshape(-1).astype(jnp.int32)
    edge_index = jnp.stack([src, dst])          # [2, E], message src -> dst
    edge_attr = vals.reshape(-1)
    return edge_attr, edge_index


def _gatv2_conv(x, edge_index, Wl, Wr, att, b, heads, oc, concat):
    n = x.shape[0]
    src, dst = edge_index[0], edge_index[1]
    xl = (x @ Wl).reshape(n, heads, oc)  # source transform (messages)
    xr = (x @ Wr).reshape(n, heads, oc)  # target transform
    e = jax.nn.leaky_relu(xl[src] + xr[dst], negative_slope=0.2)  # [E, H, oc]
    logit = (e * att[None, :, :]).sum(-1)                          # [E, H]
    m = jax.ops.segment_max(logit, dst, num_segments=n)
    m = jnp.where(jnp.isfinite(m), m, 0.0)
    ex = jnp.exp(logit - m[dst])
    den = jax.ops.segment_sum(ex, dst, num_segments=n)
    alpha = ex / (den[dst] + 1e-16)                                # softmax per dst node
    out = jax.ops.segment_sum(alpha[:, :, None] * xl[src], dst, num_segments=n)
    out = out.reshape(n, heads * oc) if concat else out.mean(axis=1)
    return out + b


def reference(x, W1l, W1r, a1, b1, W2l, W2r, a2, b2):
    # backbone = Identity (feature input), then flatten(1) is a no-op for 2D input
    z = x
    z_cnn = z
    edge_attr, edge_index = _knn_graph(z, K)
    # GAT v2 model: conv1 (concat heads) -> ReLU -> conv2 (mean heads)
    h = _gatv2_conv(z, edge_index, W1l, W1r, a1, b1, HEADS, HID, True)
    h = jax.nn.relu(h)
    z = _gatv2_conv(h, edge_index, W2l, W2r, a2, b2, HEADS, D, False)
    return (z_cnn, z)

if __name__ == "__main__":
    import jax
    _d = setup_inputs()
    print(jax.jit(kernel)(*tuple(_d.values())))

</pallas_src>

<mosaic_0001>
#map = affine_map<(d0, d1) -> (0, 0)>
#map1 = affine_map<(d0, d1) -> (0)>
module attributes {stable_mosaic.version = 14 : i64} {
  func.func @kern(%arg0: i32, %arg1: i32, %arg2: memref<10240x128xf32, #tpu.memory_space<hbm>>, %arg3: memref<327680xi32, #tpu.memory_space<hbm>>, %arg4: memref<327680x128xf32, #tpu.memory_space<hbm>>, %arg5: memref<512xi32, #tpu.memory_space<vmem>>, %arg6: memref<512x128xf32, #tpu.memory_space<vmem>>, %arg7: memref<!tpu.dma_semaphore, #tpu.memory_space<semaphore_mem>>) attributes {dimension_semantics = [#tpu.dimension_semantics<core_parallel>, #tpu.dimension_semantics<subcore_parallel>], iteration_bounds = array<i64: 2, 16>, scalar_prefetch = 0 : i64, scratch_operands = 3 : i64, tpu.core_type = #tpu.core_type<sc_vector_subcore>, window_params = [{transform_indices = #map}, {transform_indices = #map1}, {transform_indices = #map}]} {
    %mul3A = arith.constant 2 : i32
    %mul3A_0 = arith.muli %arg1, %mul3A : i32
    %add3A = arith.addi %mul3A_0, %arg0 : i32
    %mul3A_1 = arith.constant 10240 : i32
    %mul3A_2 = arith.muli %add3A, %mul3A_1 : i32
    %scan3A = arith.constant 0 : i32
    %scan3A_3 = arith.constant 20 : i32
    %scan3A_4 = arith.addi %scan3A, %scan3A_3 : i32
    %scan3A_5 = arith.constant 1 : i32
    scf.for %scan3A_7 = %scan3A to %scan3A_4 step %scan3A_5  : i32 {
      %mul3A_8 = arith.constant 1 : i32
      %mul3A_9 = arith.muli %scan3A_7, %mul3A_8 : i32
      %add3A_10 = arith.constant 0 : i32
      %add3A_11 = arith.addi %add3A_10, %mul3A_9 : i32
      %mul3A_12 = arith.constant 512 : i32
      %mul3A_13 = arith.muli %add3A_11, %mul3A_12 : i32
      %add3A_14 = arith.addi %mul3A_2, %mul3A_13 : i32
      "tpu.region"() ({
        %run_scoped3A = tpu.sem_alloc : memref<!tpu.dma_semaphore, #tpu.memory_space<semaphore_mem>>
        %dma_start3A_77 = tpu.memref_slice %arg3[%add3A_14] : memref<327680xi32, #tpu.memory_space<hbm>> -> memref<512xi32, #tpu.memory_space<hbm>>
        %dma_start3A_78 = tpu.memref_slice %arg3[%add3A_14] : memref<327680xi32, #tpu.memory_space<hbm>> -> memref<512xi32, #tpu.memory_space<hbm>>
        tpu.enqueue_dma source(%dma_start3A_78 : memref<512xi32, #tpu.memory_space<hbm>>) target(%arg5 : memref<512xi32, #tpu.memory_space<vmem>>) target_semaphore(%run_scoped3A : memref<!tpu.dma_semaphore, #tpu.memory_space<semaphore_mem>>)
        %dma_wait3A_79 = tpu.memref_slice %arg3[%add3A_14] : memref<327680xi32, #tpu.memory_space<hbm>> -> memref<512xi32, #tpu.memory_space<hbm>>
        %dma_wait3A_80 = tpu.memref_slice %arg3[%add3A_14] : memref<327680xi32, #tpu.memory_space<hbm>> -> memref<512xi32, #tpu.memory_space<hbm>>
        tpu.wait_dma2 semaphore(%run_scoped3A : memref<!tpu.dma_semaphore, #tpu.memory_space<semaphore_mem>>) src(%dma_wait3A_80 : memref<512xi32, #tpu.memory_space<hbm>>) dst(%arg5 : memref<512xi32, #tpu.memory_space<vmem>>)
        tpu.yield
      }) : () -> ()
      %dma_start3A = arith.constant 0 : i32
      %dma_start3A_15 = arith.constant 0 : i32
      %dma_start3A_16 = tpu.memref_slice %arg6[%dma_start3A, %dma_start3A_15] : memref<512x128xf32, #tpu.memory_space<vmem>> -> memref<128x128xf32, #tpu.memory_space<vmem>>
      %dma_start3A_17 = arith.constant 0 : i32
      %dma_start3A_18 = tpu.memref_slice %arg5[%dma_start3A_17] : memref<512xi32, #tpu.memory_space<vmem>> -> memref<128xi32, #tpu.memory_space<vmem>>
      %dma_start3A_19 = arith.constant 0 : i32
      %dma_start3A_20 = arith.constant 0 : i32
      %dma_start3A_21 = tpu.memref_slice %arg2[%dma_start3A_19, %dma_start3A_20] : memref<10240x128xf32, #tpu.memory_space<hbm>> -> memref<10240x128xf32, #tpu.memory_space<hbm>>
      tpu.enqueue_indirect_dma source(%dma_start3A_21 : memref<10240x128xf32, #tpu.memory_space<hbm>>) target(%dma_start3A_16 : memref<128x128xf32, #tpu.memory_space<vmem>>) offsets(%dma_start3A_18 : memref<128xi32, #tpu.memory_space<vmem>>) semaphore(%arg7 : memref<!tpu.dma_semaphore, #tpu.memory_space<semaphore_mem>>)
      %dma_start3A_22 = arith.constant 128 : i32
      %dma_start3A_23 = arith.constant 0 : i32
      %dma_start3A_24 = tpu.memref_slice %arg6[%dma_start3A_22, %dma_start3A_23] : memref<512x128xf32, #tpu.memory_space<vmem>> -> memref<128x128xf32, #tpu.memory_space<vmem>>
      %dma_start3A_25 = arith.constant 128 : i32
      %dma_start3A_26 = tpu.memref_slice %arg5[%dma_start3A_25] : memref<512xi32, #tpu.memory_space<vmem>> -> memref<128xi32, #tpu.memory_space<vmem>>
      %dma_start3A_27 = arith.constant 0 : i32
      %dma_start3A_28 = arith.constant 0 : i32
      %dma_start3A_29 = tpu.memref_slice %arg2[%dma_start3A_27, %dma_start3A_28] : memref<10240x128xf32, #tpu.memory_space<hbm>> -> memref<10240x128xf32, #tpu.memory_space<hbm>>
      tpu.enqueue_indirect_dma source(%dma_start3A_29 : memref<10240x128xf32, #tpu.memory_space<hbm>>) target(%dma_start3A_24 : memref<128x128xf32, #tpu.memory_space<vmem>>) offsets(%dma_start3A_26 : memref<128xi32, #tpu.memory_space<vmem>>) semaphore(%arg7 : memref<!tpu.dma_semaphore, #tpu.memory_space<semaphore_mem>>)
      %dma_start3A_30 = arith.constant 256 : i32
      %dma_start3A_31 = arith.constant 0 : i32
      %dma_start3A_32 = tpu.memref_slice %arg6[%dma_start3A_30, %dma_start3A_31] : memref<512x128xf32, #tpu.memory_space<vmem>> -> memref<128x128xf32, #tpu.memory_space<vmem>>
      %dma_start3A_33 = arith.constant 256 : i32
      %dma_start3A_34 = tpu.memref_slice %arg5[%dma_start3A_33] : memref<512xi32, #tpu.memory_space<vmem>> -> memref<128xi32, #tpu.memory_space<vmem>>
      %dma_start3A_35 = arith.constant 0 : i32
      %dma_start3A_36 = arith.constant 0 : i32
      %dma_start3A_37 = tpu.memref_slice %arg2[%dma_start3A_35, %dma_start3A_36] : memref<10240x128xf32, #tpu.memory_space<hbm>> -> memref<10240x128xf32, #tpu.memory_space<hbm>>
      tpu.enqueue_indirect_dma source(%dma_start3A_37 : memref<10240x128xf32, #tpu.memory_space<hbm>>) target(%dma_start3A_32 : memref<128x128xf32, #tpu.memory_space<vmem>>) offsets(%dma_start3A_34 : memref<128xi32, #tpu.memory_space<vmem>>) semaphore(%arg7 : memref<!tpu.dma_semaphore, #tpu.memory_space<semaphore_mem>>)
      %dma_start3A_38 = arith.constant 384 : i32
      %dma_start3A_39 = arith.constant 0 : i32
      %dma_start3A_40 = tpu.memref_slice %arg6[%dma_start3A_38, %dma_start3A_39] : memref<512x128xf32, #tpu.memory_space<vmem>> -> memref<128x128xf32, #tpu.memory_space<vmem>>
      %dma_start3A_41 = arith.constant 384 : i32
      %dma_start3A_42 = tpu.memref_slice %arg5[%dma_start3A_41] : memref<512xi32, #tpu.memory_space<vmem>> -> memref<128xi32, #tpu.memory_space<vmem>>
      %dma_start3A_43 = arith.constant 0 : i32
      %dma_start3A_44 = arith.constant 0 : i32
      %dma_start3A_45 = tpu.memref_slice %arg2[%dma_start3A_43, %dma_start3A_44] : memref<10240x128xf32, #tpu.memory_space<hbm>> -> memref<10240x128xf32, #tpu.memory_space<hbm>>
      tpu.enqueue_indirect_dma source(%dma_start3A_45 : memref<10240x128xf32, #tpu.memory_space<hbm>>) target(%dma_start3A_40 : memref<128x128xf32, #tpu.memory_space<vmem>>) offsets(%dma_start3A_42 : memref<128xi32, #tpu.memory_space<vmem>>) semaphore(%arg7 : memref<!tpu.dma_semaphore, #tpu.memory_space<semaphore_mem>>)
      %dma_wait3A = arith.constant 0 : i32
      %dma_wait3A_46 = arith.constant 0 : i32
      %dma_wait3A_47 = tpu.memref_slice %arg6[%dma_wait3A, %dma_wait3A_46] : memref<512x128xf32, #tpu.memory_space<vmem>> -> memref<128x128xf32, #tpu.memory_space<vmem>>
      %dma_wait3A_48 = arith.constant 0 : i32
      %dma_wait3A_49 = tpu.memref_slice %arg5[%dma_wait3A_48] : memref<512xi32, #tpu.memory_space<vmem>> -> memref<128xi32, #tpu.memory_space<vmem>>
      %dma_wait3A_50 = arith.constant 0 : i32
      %dma_wait3A_51 = arith.constant 0 : i32
      %dma_wait3A_52 = tpu.memref_slice %arg2[%dma_wait3A_50, %dma_wait3A_51] : memref<10240x128xf32, #tpu.memory_space<hbm>> -> memref<10240x128xf32, #tpu.memory_space<hbm>>
      tpu.wait_indirect_dma semaphore(%arg7 : memref<!tpu.dma_semaphore, #tpu.memory_space<semaphore_mem>>) src(%dma_wait3A_52 : memref<10240x128xf32, #tpu.memory_space<hbm>>) dst(%dma_wait3A_47 : memref<128x128xf32, #tpu.memory_space<vmem>>)
      %dma_wait3A_53 = arith.constant 128 : i32
      %dma_wait3A_54 = arith.constant 0 : i32
      %dma_wait3A_55 = tpu.memref_slice %arg6[%dma_wait3A_53, %dma_wait3A_54] : memref<512x128xf32, #tpu.memory_space<vmem>> -> memref<128x128xf32, #tpu.memory_space<vmem>>
      %dma_wait3A_56 = arith.constant 128 : i32
      %dma_wait3A_57 = tpu.memref_slice %arg5[%dma_wait3A_56] : memref<512xi32, #tpu.memory_space<vmem>> -> memref<128xi32, #tpu.memory_space<vmem>>
      %dma_wait3A_58 = arith.constant 0 : i32
      %dma_wait3A_59 = arith.constant 0 : i32
      %dma_wait3A_60 = tpu.memref_slice %arg2[%dma_wait3A_58, %dma_wait3A_59] : memref<10240x128xf32, #tpu.memory_space<hbm>> -> memref<10240x128xf32, #tpu.memory_space<hbm>>
      tpu.wait_indirect_dma semaphore(%arg7 : memref<!tpu.dma_semaphore, #tpu.memory_space<semaphore_mem>>) src(%dma_wait3A_60 : memref<10240x128xf32, #tpu.memory_space<hbm>>) dst(%dma_wait3A_55 : memref<128x128xf32, #tpu.memory_space<vmem>>)
      %dma_wait3A_61 = arith.constant 256 : i32
      %dma_wait3A_62 = arith.constant 0 : i32
      %dma_wait3A_63 = tpu.memref_slice %arg6[%dma_wait3A_61, %dma_wait3A_62] : memref<512x128xf32, #tpu.memory_space<vmem>> -> memref<128x128xf32, #tpu.memory_space<vmem>>
      %dma_wait3A_64 = arith.constant 256 : i32
      %dma_wait3A_65 = tpu.memref_slice %arg5[%dma_wait3A_64] : memref<512xi32, #tpu.memory_space<vmem>> -> memref<128xi32, #tpu.memory_space<vmem>>
      %dma_wait3A_66 = arith.constant 0 : i32
      %dma_wait3A_67 = arith.constant 0 : i32
      %dma_wait3A_68 = tpu.memref_slice %arg2[%dma_wait3A_66, %dma_wait3A_67] : memref<10240x128xf32, #tpu.memory_space<hbm>> -> memref<10240x128xf32, #tpu.memory_space<hbm>>
      tpu.wait_indirect_dma semaphore(%arg7 : memref<!tpu.dma_semaphore, #tpu.memory_space<semaphore_mem>>) src(%dma_wait3A_68 : memref<10240x128xf32, #tpu.memory_space<hbm>>) dst(%dma_wait3A_63 : memref<128x128xf32, #tpu.memory_space<vmem>>)
      %dma_wait3A_69 = arith.constant 384 : i32
      %dma_wait3A_70 = arith.constant 0 : i32
      %dma_wait3A_71 = tpu.memref_slice %arg6[%dma_wait3A_69, %dma_wait3A_70] : memref<512x128xf32, #tpu.memory_space<vmem>> -> memref<128x128xf32, #tpu.memory_space<vmem>>
      %dma_wait3A_72 = arith.constant 384 : i32
      %dma_wait3A_73 = tpu.memref_slice %arg5[%dma_wait3A_72] : memref<512xi32, #tpu.memory_space<vmem>> -> memref<128xi32, #tpu.memory_space<vmem>>
      %dma_wait3A_74 = arith.constant 0 : i32
      %dma_wait3A_75 = arith.constant 0 : i32
      %dma_wait3A_76 = tpu.memref_slice %arg2[%dma_wait3A_74, %dma_wait3A_75] : memref<10240x128xf32, #tpu.memory_space<hbm>> -> memref<10240x128xf32, #tpu.memory_space<hbm>>
      tpu.wait_indirect_dma semaphore(%arg7 : memref<!tpu.dma_semaphore, #tpu.memory_space<semaphore_mem>>) src(%dma_wait3A_76 : memref<10240x128xf32, #tpu.memory_space<hbm>>) dst(%dma_wait3A_71 : memref<128x128xf32, #tpu.memory_space<vmem>>)
      "tpu.region"() ({
        %run_scoped3A = tpu.sem_alloc : memref<!tpu.dma_semaphore, #tpu.memory_space<semaphore_mem>>
        %dma_start3A_77 = arith.constant 0 : i32
        %dma_start3A_78 = tpu.memref_slice %arg4[%add3A_14, %dma_start3A_77] : memref<327680x128xf32, #tpu.memory_space<hbm>> -> memref<512x128xf32, #tpu.memory_space<hbm>>
        %dma_start3A_79 = arith.constant 0 : i32
        %dma_start3A_80 = tpu.memref_slice %arg4[%add3A_14, %dma_start3A_79] : memref<327680x128xf32, #tpu.memory_space<hbm>> -> memref<512x128xf32, #tpu.memory_space<hbm>>
        tpu.enqueue_dma source(%arg6 : memref<512x128xf32, #tpu.memory_space<vmem>>) target(%dma_start3A_80 : memref<512x128xf32, #tpu.memory_space<hbm>>) target_semaphore(%run_scoped3A : memref<!tpu.dma_semaphore, #tpu.memory_space<semaphore_mem>>)
        %dma_wait3A_81 = arith.constant 0 : i32
        %dma_wait3A_82 = tpu.memref_slice %arg4[%add3A_14, %dma_wait3A_81] : memref<327680x128xf32, #tpu.memory_space<hbm>> -> memref<512x128xf32, #tpu.memory_space<hbm>>
        %dma_wait3A_83 = arith.constant 0 : i32
        %dma_wait3A_84 = tpu.memref_slice %arg4[%add3A_14, %dma_wait3A_83] : memref<327680x128xf32, #tpu.memory_space<hbm>> -> memref<512x128xf32, #tpu.memory_space<hbm>>
        tpu.wait_dma2 semaphore(%run_scoped3A : memref<!tpu.dma_semaphore, #tpu.memory_space<semaphore_mem>>) src(%arg6 : memref<512x128xf32, #tpu.memory_space<vmem>>) dst(%dma_wait3A_84 : memref<512x128xf32, #tpu.memory_space<hbm>>)
        tpu.yield
      }) : () -> ()
    }
    %scan3A_6 = arith.constant 20 : i32
    return
  }
}

#map = affine_map<(d0, d1) -> (0, 0)>
#map1 = affine_map<(d0, d1) -> (0)>
module attributes {stable_mosaic.version = 14 : i64} {
  func.func @kern(%arg0: i32, %arg1: i32, %arg2: memref<10240x128xf32, #tpu.memory_space<hbm>>, %arg3: memref<327680xi32, #tpu.memory_space<hbm>>, %arg4: memref<327680x128xf32, #tpu.memory_space<hbm>>, %arg5: memref<512xi32, #tpu.memory_space<vmem>>, %arg6: memref<512x128xf32, #tpu.memory_space<vmem>>, %arg7: memref<!tpu.dma_semaphore, #tpu.memory_space<semaphore_mem>>) attributes {dimension_semantics = [#tpu.dimension_semantics<core_parallel>, #tpu.dimension_semantics<subcore_parallel>], iteration_bounds = array<i64: 2, 16>, scalar_prefetch = 0 : i64, scratch_operands = 3 : i64, tpu.core_type = #tpu.core_type<sc_vector_subcore>, window_params = [{transform_indices = #map}, {transform_indices = #map1}, {transform_indices = #map}]} {
    %mul3A = arith.constant 2 : i32
    %mul3A_0 = arith.muli %arg1, %mul3A : i32
    %add3A = arith.addi %mul3A_0, %arg0 : i32
    %mul3A_1 = arith.constant 10240 : i32
    %mul3A_2 = arith.muli %add3A, %mul3A_1 : i32
    %scan3A = arith.constant 0 : i32
    %scan3A_3 = arith.constant 20 : i32
    %scan3A_4 = arith.addi %scan3A, %scan3A_3 : i32
    %scan3A_5 = arith.constant 1 : i32
    scf.for %scan3A_7 = %scan3A to %scan3A_4 step %scan3A_5  : i32 {
      %mul3A_8 = arith.constant 1 : i32
      %mul3A_9 = arith.muli %scan3A_7, %mul3A_8 : i32
      %add3A_10 = arith.constant 0 : i32
      %add3A_11 = arith.addi %add3A_10, %mul3A_9 : i32
      %mul3A_12 = arith.constant 512 : i32
      %mul3A_13 = arith.muli %add3A_11, %mul3A_12 : i32
      %add3A_14 = arith.addi %mul3A_2, %mul3A_13 : i32
      "tpu.region"() ({
        %run_scoped3A = tpu.sem_alloc : memref<!tpu.dma_semaphore, #tpu.memory_space<semaphore_mem>>
        %dma_start3A_77 = tpu.memref_slice %arg3[%add3A_14] : memref<327680xi32, #tpu.memory_space<hbm>> -> memref<512xi32, #tpu.memory_space<hbm>>
        %dma_start3A_78 = tpu.memref_slice %arg3[%add3A_14] : memref<327680xi32, #tpu.memory_space<hbm>> -> memref<512xi32, #tpu.memory_space<hbm>>
        tpu.enqueue_dma source(%dma_start3A_78 : memref<512xi32, #tpu.memory_space<hbm>>) target(%arg5 : memref<512xi32, #tpu.memory_space<vmem>>) target_semaphore(%run_scoped3A : memref<!tpu.dma_semaphore, #tpu.memory_space<semaphore_mem>>)
        %dma_wait3A_79 = tpu.memref_slice %arg3[%add3A_14] : memref<327680xi32, #tpu.memory_space<hbm>> -> memref<512xi32, #tpu.memory_space<hbm>>
        %dma_wait3A_80 = tpu.memref_slice %arg3[%add3A_14] : memref<327680xi32, #tpu.memory_space<hbm>> -> memref<512xi32, #tpu.memory_space<hbm>>
        tpu.wait_dma2 semaphore(%run_scoped3A : memref<!tpu.dma_semaphore, #tpu.memory_space<semaphore_mem>>) src(%dma_wait3A_80 : memref<512xi32, #tpu.memory_space<hbm>>) dst(%arg5 : memref<512xi32, #tpu.memory_space<vmem>>)
        tpu.yield
      }) : () -> ()
      %dma_start3A = arith.constant 0 : i32
      %dma_start3A_15 = arith.constant 0 : i32
      %dma_start3A_16 = tpu.memref_slice %arg6[%dma_start3A, %dma_start3A_15] : memref<512x128xf32, #tpu.memory_space<vmem>> -> memref<128x128xf32, #tpu.memory_space<vmem>>
      %dma_start3A_17 = arith.constant 0 : i32
      %dma_start3A_18 = tpu.memref_slice %arg5[%dma_start3A_17] : memref<512xi32, #tpu.memory_space<vmem>> -> memref<128xi32, #tpu.memory_space<vmem>>
      %dma_start3A_19 = arith.constant 0 : i32
      %dma_start3A_20 = arith.constant 0 : i32
      %dma_start3A_21 = tpu.memref_slice %arg2[%dma_start3A_19, %dma_start3A_20] : memref<10240x128xf32, #tpu.memory_space<hbm>> -> memref<10240x128xf32, #tpu.memory_space<hbm>>
      tpu.enqueue_indirect_dma source(%dma_start3A_21 : memref<10240x128xf32, #tpu.memory_space<hbm>>) target(%dma_start3A_16 : memref<128x128xf32, #tpu.memory_space<vmem>>) offsets(%dma_start3A_18 : memref<128xi32, #tpu.memory_space<vmem>>) semaphore(%arg7 : memref<!tpu.dma_semaphore, #tpu.memory_space<semaphore_mem>>)
      %dma_start3A_22 = arith.constant 128 : i32
      %dma_start3A_23 = arith.constant 0 : i32
      %dma_start3A_24 = tpu.memref_slice %arg6[%dma_start3A_22, %dma_start3A_23] : memref<512x128xf32, #tpu.memory_space<vmem>> -> memref<128x128xf32, #tpu.memory_space<vmem>>
      %dma_start3A_25 = arith.constant 128 : i32
      %dma_start3A_26 = tpu.memref_slice %arg5[%dma_start3A_25] : memref<512xi32, #tpu.memory_space<vmem>> -> memref<128xi32, #tpu.memory_space<vmem>>
      %dma_start3A_27 = arith.constant 0 : i32
      %dma_start3A_28 = arith.constant 0 : i32
      %dma_start3A_29 = tpu.memref_slice %arg2[%dma_start3A_27, %dma_start3A_28] : memref<10240x128xf32, #tpu.memory_space<hbm>> -> memref<10240x128xf32, #tpu.memory_space<hbm>>
      tpu.enqueue_indirect_dma source(%dma_start3A_29 : memref<10240x128xf32, #tpu.memory_space<hbm>>) target(%dma_start3A_24 : memref<128x128xf32, #tpu.memory_space<vmem>>) offsets(%dma_start3A_26 : memref<128xi32, #tpu.memory_space<vmem>>) semaphore(%arg7 : memref<!tpu.dma_semaphore, #tpu.memory_space<semaphore_mem>>)
      %dma_start3A_30 = arith.constant 256 : i32
      %dma_start3A_31 = arith.constant 0 : i32
      %dma_start3A_32 = tpu.memref_slice %arg6[%dma_start3A_30, %dma_start3A_31] : memref<512x128xf32, #tpu.memory_space<vmem>> -> memref<128x128xf32, #tpu.memory_space<vmem>>
      %dma_start3A_33 = arith.constant 256 : i32
      %dma_start3A_34 = tpu.memref_slice %arg5[%dma_start3A_33] : memref<512xi32, #tpu.memory_space<vmem>> -> memref<128xi32, #tpu.memory_space<vmem>>
      %dma_start3A_35 = arith.constant 0 : i32
      %dma_start3A_36 = arith.constant 0 : i32
      %dma_start3A_37 = tpu.memref_slice %arg2[%dma_start3A_35, %dma_start3A_36] : memref<10240x128xf32, #tpu.memory_space<hbm>> -> memref<10240x128xf32, #tpu.memory_space<hbm>>
      tpu.enqueue_indirect_dma source(%dma_start3A_37 : memref<10240x128xf32, #tpu.memory_space<hbm>>) target(%dma_start3A_32 : memref<128x128xf32, #tpu.memory_space<vmem>>) offsets(%dma_start3A_34 : memref<128xi32, #tpu.memory_space<vmem>>) semaphore(%arg7 : memref<!tpu.dma_semaphore, #tpu.memory_space<semaphore_mem>>)
      %dma_start3A_38 = arith.constant 384 : i32
      %dma_start3A_39 = arith.constant 0 : i32
      %dma_start3A_40 = tpu.memref_slice %arg6[%dma_start3A_38, %dma_start3A_39] : memref<512x128xf32, #tpu.memory_space<vmem>> -> memref<128x128xf32, #tpu.memory_space<vmem>>
      %dma_start3A_41 = arith.constant 384 : i32
      %dma_start3A_42 = tpu.memref_slice %arg5[%dma_start3A_41] : memref<512xi32, #tpu.memory_space<vmem>> -> memref<128xi32, #tpu.memory_space<vmem>>
      %dma_start3A_43 = arith.constant 0 : i32
      %dma_start3A_44 = arith.constant 0 : i32
      %dma_start3A_45 = tpu.memref_slice %arg2[%dma_start3A_43, %dma_start3A_44] : memref<10240x128xf32, #tpu.memory_space<hbm>> -> memref<10240x128xf32, #tpu.memory_space<hbm>>
      tpu.enqueue_indirect_dma source(%dma_start3A_45 : memref<10240x128xf32, #tpu.memory_space<hbm>>) target(%dma_start3A_40 : memref<128x128xf32, #tpu.memory_space<vmem>>) offsets(%dma_start3A_42 : memref<128xi32, #tpu.memory_space<vmem>>) semaphore(%arg7 : memref<!tpu.dma_semaphore, #tpu.memory_space<semaphore_mem>>)
      %dma_wait3A = arith.constant 0 : i32
      %dma_wait3A_46 = arith.constant 0 : i32
      %dma_wait3A_47 = tpu.memref_slice %arg6[%dma_wait3A, %dma_wait3A_46] : memref<512x128xf32, #tpu.memory_space<vmem>> -> memref<128x128xf32, #tpu.memory_space<vmem>>
      %dma_wait3A_48 = arith.constant 0 : i32
      %dma_wait3A_49 = tpu.memref_slice %arg5[%dma_wait3A_48] : memref<512xi32, #tpu.memory_space<vmem>> -> memref<128xi32, #tpu.memory_space<vmem>>
      %dma_wait3A_50 = arith.constant 0 : i32
      %dma_wait3A_51 = arith.constant 0 : i32
      %dma_wait3A_52 = tpu.memref_slice %arg2[%dma_wait3A_50, %dma_wait3A_51] : memref<10240x128xf32, #tpu.memory_space<hbm>> -> memref<10240x128xf32, #tpu.memory_space<hbm>>
      tpu.wait_indirect_dma semaphore(%arg7 : memref<!tpu.dma_semaphore, #tpu.memory_space<semaphore_mem>>) src(%dma_wait3A_52 : memref<10240x128xf32, #tpu.memory_space<hbm>>) dst(%dma_wait3A_47 : memref<128x128xf32, #tpu.memory_space<vmem>>)
      %dma_wait3A_53 = arith.constant 128 : i32
      %dma_wait3A_54 = arith.constant 0 : i32
      %dma_wait3A_55 = tpu.memref_slice %arg6[%dma_wait3A_53, %dma_wait3A_54] : memref<512x128xf32, #tpu.memory_space<vmem>> -> memref<128x128xf32, #tpu.memory_space<vmem>>
      %dma_wait3A_56 = arith.constant 128 : i32
      %dma_wait3A_57 = tpu.memref_slice %arg5[%dma_wait3A_56] : memref<512xi32, #tpu.memory_space<vmem>> -> memref<128xi32, #tpu.memory_space<vmem>>
      %dma_wait3A_58 = arith.constant 0 : i32
      %dma_wait3A_59 = arith.constant 0 : i32
      %dma_wait3A_60 = tpu.memref_slice %arg2[%dma_wait3A_58, %dma_wait3A_59] : memref<10240x128xf32, #tpu.memory_space<hbm>> -> memref<10240x128xf32, #tpu.memory_space<hbm>>
      tpu.wait_indirect_dma semaphore(%arg7 : memref<!tpu.dma_semaphore, #tpu.memory_space<semaphore_mem>>) src(%dma_wait3A_60 : memref<10240x128xf32, #tpu.memory_space<hbm>>) dst(%dma_wait3A_55 : memref<128x128xf32, #tpu.memory_space<vmem>>)
      %dma_wait3A_61 = arith.constant 256 : i32
      %dma_wait3A_62 = arith.constant 0 : i32
      %dma_wait3A_63 = tpu.memref_slice %arg6[%dma_wait3A_61, %dma_wait3A_62] : memref<512x128xf32, #tpu.memory_space<vmem>> -> memref<128x128xf32, #tpu.memory_space<vmem>>
      %dma_wait3A_64 = arith.constant 256 : i32
      %dma_wait3A_65 = tpu.memref_slice %arg5[%dma_wait3A_64] : memref<512xi32, #tpu.memory_space<vmem>> -> memref<128xi32, #tpu.memory_space<vmem>>
      %dma_wait3A_66 = arith.constant 0 : i32
      %dma_wait3A_67 = arith.constant 0 : i32
      %dma_wait3A_68 = tpu.memref_slice %arg2[%dma_wait3A_66, %dma_wait3A_67] : memref<10240x128xf32, #tpu.memory_space<hbm>> -> memref<10240x128xf32, #tpu.memory_space<hbm>>
      tpu.wait_indirect_dma semaphore(%arg7 : memref<!tpu.dma_semaphore, #tpu.memory_space<semaphore_mem>>) src(%dma_wait3A_68 : memref<10240x128xf32, #tpu.memory_space<hbm>>) dst(%dma_wait3A_63 : memref<128x128xf32, #tpu.memory_space<vmem>>)
      %dma_wait3A_69 = arith.constant 384 : i32
      %dma_wait3A_70 = arith.constant 0 : i32
      %dma_wait3A_71 = tpu.memref_slice %arg6[%dma_wait3A_69, %dma_wait3A_70] : memref<512x128xf32, #tpu.memory_space<vmem>> -> memref<128x128xf32, #tpu.memory_space<vmem>>
      %dma_wait3A_72 = arith.constant 384 : i32
      %dma_wait3A_73 = tpu.memref_slice %arg5[%dma_wait3A_72] : memref<512xi32, #tpu.memory_space<vmem>> -> memref<128xi32, #tpu.memory_space<vmem>>
      %dma_wait3A_74 = arith.constant 0 : i32
      %dma_wait3A_75 = arith.constant 0 : i32
      %dma_wait3A_76 = tpu.memref_slice %arg2[%dma_wait3A_74, %dma_wait3A_75] : memref<10240x128xf32, #tpu.memory_space<hbm>> -> memref<10240x128xf32, #tpu.memory_space<hbm>>
      tpu.wait_indirect_dma semaphore(%arg7 : memref<!tpu.dma_semaphore, #tpu.memory_space<semaphore_mem>>) src(%dma_wait3A_76 : memref<10240x128xf32, #tpu.memory_space<hbm>>) dst(%dma_wait3A_71 : memref<128x128xf32, #tpu.memory_space<vmem>>)
      "tpu.region"() ({
        %run_scoped3A = tpu.sem_alloc : memref<!tpu.dma_semaphore, #tpu.memory_space<semaphore_mem>>
        %dma_start3A_77 = arith.constant 0 : i32
        %dma_start3A_78 = tpu.memref_slice %arg4[%add3A_14, %dma_start3A_77] : memref<327680x128xf32, #tpu.memory_space<hbm>> -> memref<512x128xf32, #tpu.memory_space<hbm>>
        %dma_start3A_79 = arith.constant 0 : i32
        %dma_start3A_80 = tpu.memref_slice %arg4[%add3A_14, %dma_start3A_79] : memref<327680x128xf32, #tpu.memory_space<hbm>> -> memref<512x128xf32, #tpu.memory_space<hbm>>
        tpu.enqueue_dma source(%arg6 : memref<512x128xf32, #tpu.memory_space<vmem>>) target(%dma_start3A_80 : memref<512x128xf32, #tpu.memory_space<hbm>>) target_semaphore(%run_scoped3A : memref<!tpu.dma_semaphore, #tpu.memory_space<semaphore_mem>>)
        %dma_wait3A_81 = arith.constant 0 : i32
        %dma_wait3A_82 = tpu.memref_slice %arg4[%add3A_14, %dma_wait3A_81] : memref<327680x128xf32, #tpu.memory_space<hbm>> -> memref<512x128xf32, #tpu.memory_space<hbm>>
        %dma_wait3A_83 = arith.constant 0 : i32
        %dma_wait3A_84 = tpu.memref_slice %arg4[%add3A_14, %dma_wait3A_83] : memref<327680x128xf32, #tpu.memory_space<hbm>> -> memref<512x128xf32, #tpu.memory_space<hbm>>
        tpu.wait_dma2 semaphore(%run_scoped3A : memref<!tpu.dma_semaphore, #tpu.memory_space<semaphore_mem>>) src(%arg6 : memref<512x128xf32, #tpu.memory_space<vmem>>) dst(%dma_wait3A_84 : memref<512x128xf32, #tpu.memory_space<hbm>>)
        tpu.yield
      }) : () -> ()
    }
    %scan3A_6 = arith.constant 20 : i32
    return
  }
}

module attributes {stable_mosaic.version = 14 : i64} {
  func.func @_proj_body(%arg0: memref<10240x128xf32, #tpu.memory_space<vmem>>, %arg1: memref<128x128xf32, #tpu.memory_space<vmem>>, %arg2: memref<128x128xf32, #tpu.memory_space<vmem>>, %arg3: memref<10240x128xf32, #tpu.memory_space<vmem>>, %arg4: memref<10240x128xf32, #tpu.memory_space<vmem>>, %arg5: memref<10240x128xf32, #tpu.memory_space<vmem>>) attributes {dimension_semantics = [], scalar_prefetch = 0 : i64, scratch_operands = 0 : i64, tpu.core_type = #tpu.core_type<tc>} {
    %get3A = arith.constant 0 : index
    %get3A_0 = arith.constant 0 : index
    %get3A_1 = vector.load %arg0[%get3A, %get3A_0] : memref<10240x128xf32, #tpu.memory_space<vmem>>, vector<10240x128xf32>
    %mul3A = arith.mulf %get3A_1, %get3A_1 : vector<10240x128xf32>
    %reduce_sum3A = arith.constant dense<0.000000e+00> : vector<10240xf32>
    %reduce_sum3A_2 = vector.multi_reduction <add>, %mul3A, %reduce_sum3A [1] : vector<10240x128xf32> to vector<10240xf32>
    %broadcast_in_dim3A = vector.shape_cast %reduce_sum3A_2 : vector<10240xf32> to vector<10240x1xf32>
    %sqrt3A = math.sqrt %broadcast_in_dim3A : vector<10240x1xf32>
    %add3A = arith.constant 9.99999996E-13 : f32
    %add3A_3 = vector.broadcast %add3A : f32 to vector<10240x1xf32>
    %add3A_4 = arith.addf %sqrt3A, %add3A_3 : vector<10240x1xf32>
    %div3A = vector.broadcast %add3A_4 : vector<10240x1xf32> to vector<10240x128xf32>
    %div3A_5 = arith.divf %get3A_1, %div3A : vector<10240x128xf32>
    %swap3A = arith.constant 0 : index
    %swap3A_6 = arith.constant 0 : index
    %swap3A_7 = vector.load %arg3[%swap3A, %swap3A_6] : memref<10240x128xf32, #tpu.memory_space<vmem>>, vector<10240x128xf32>
    tpu.vector_store %arg3[%swap3A, %swap3A_6], %div3A_5 {strides = array<i32>} : memref<10240x128xf32, #tpu.memory_space<vmem>>, vector<10240x128xf32>,
    %get3A_8 = arith.constant 0 : index
    %get3A_9 = arith.constant 0 : index
    %get3A_10 = vector.load %arg1[%get3A_8, %get3A_9] : memref<128x128xf32, #tpu.memory_space<vmem>>, vector<128x128xf32>
    %dot_general3A = arith.constant dense<0.000000e+00> : vector<10240x128xf32>
    %dot_general3A_11 = tpu.matmul %get3A_1, %get3A_10, %dot_general3A {dimension_numbers = #tpu.dot_dimension_numbers<[1], [0], [0], [1], [0, 0, 1, 1], [], []>, transpose_lhs_hint = false} : vector<10240x128xf32>, vector<128x128xf32>, vector<10240x128xf32> -> vector<10240x128xf32>
    %swap3A_12 = arith.constant 0 : index
    %swap3A_13 = arith.constant 0 : index
    %swap3A_14 = vector.load %arg4[%swap3A_12, %swap3A_13] : memref<10240x128xf32, #tpu.memory_space<vmem>>, vector<10240x128xf32>
    tpu.vector_store %arg4[%swap3A_12, %swap3A_13], %dot_general3A_11 {strides = array<i32>} : memref<10240x128xf32, #tpu.memory_space<vmem>>, vector<10240x128xf32>,
    %get3A_15 = arith.constant 0 : index
    %get3A_16 = arith.constant 0 : index
    %get3A_17 = vector.load %arg2[%get3A_15, %get3A_16] : memref<128x128xf32, #tpu.memory_space<vmem>>, vector<128x128xf32>
    %dot_general3A_18 = arith.constant dense<0.000000e+00> : vector<10240x128xf32>
    %dot_general3A_19 = tpu.matmul %get3A_1, %get3A_17, %dot_general3A_18 {dimension_numbers = #tpu.dot_dimension_numbers<[1], [0], [0], [1], [0, 0, 1, 1], [], []>, transpose_lhs_hint = false} : vector<10240x128xf32>, vector<128x128xf32>, vector<10240x128xf32> -> vector<10240x128xf32>
    %swap3A_20 = arith.constant 0 : index
    %swap3A_21 = arith.constant 0 : index
    %swap3A_22 = vector.load %arg5[%swap3A_20, %swap3A_21] : memref<10240x128xf32, #tpu.memory_space<vmem>>, vector<10240x128xf32>
    tpu.vector_store %arg5[%swap3A_20, %swap3A_21], %dot_general3A_19 {strides = array<i32>} : memref<10240x128xf32, #tpu.memory_space<vmem>>, vector<10240x128xf32>,
    return
  }
}

module attributes {stable_mosaic.version = 14 : i64} {
  func.func @_topk_body(%arg0: i32, %arg1: memref<128x128xf32, #tpu.memory_space<vmem>>, %arg2: memref<128x10240xf32, #tpu.memory_space<vmem>>, %arg3: memref<128x32xi32, #tpu.memory_space<vmem>>, %arg4: memref<128x10240xi32, #tpu.memory_space<vmem>>) attributes {dimension_semantics = [#tpu.dimension_semantics<arbitrary>], iteration_bounds = array<i64: 80>, scalar_prefetch = 0 : i64, scratch_operands = 1 : i64, tpu.core_type = #tpu.core_type<tc>, window_params = [{transform_indices = @transform_0, window_bounds = array<i64: 128, 128>}, {pipeline_mode = #tpu.pipeline_mode<synchronous>, transform_indices = @transform_1, window_bounds = array<i64: 128, 10240>}, {transform_indices = @transform_2, window_bounds = array<i64: 128, 32>}]} {
    %get3A = arith.constant 0 : index
    %get3A_0 = arith.constant 0 : index
    %get3A_1 = vector.load %arg1[%get3A, %get3A_0] : memref<128x128xf32, #tpu.memory_space<vmem>>, vector<128x128xf32>
    %get3A_2 = arith.constant 0 : index
    %get3A_3 = arith.constant 0 : index
    %get3A_4 = vector.load %arg2[%get3A_2, %get3A_3] : memref<128x10240xf32, #tpu.memory_space<vmem>>, vector<128x10240xf32>
    %dot_general3A = arith.constant dense<0.000000e+00> : vector<128x10240xf32>
    %dot_general3A_5 = tpu.matmul %get3A_1, %get3A_4, %dot_general3A {dimension_numbers = #tpu.dot_dimension_numbers<[1], [0], [0], [1], [0, 0, 1, 1], [], []>, transpose_lhs_hint = false} : vector<128x128xf32>, vector<128x10240xf32>, vector<128x10240xf32> -> vector<128x10240xf32>
    %bitcast_convert_type3A = tpu.bitcast %dot_general3A_5 : vector<128x10240xf32> -> vector<128x10240xi32>
    %ge3A = arith.constant 0 : i32
    %ge3A_6 = vector.broadcast %ge3A : i32 to vector<128x10240xi32>
    %ge3A_7 = arith.cmpi sge, %bitcast_convert_type3A, %ge3A_6 : vector<128x10240xi32>
    %xor3A = arith.constant 2147483647 : i32
    %xor3A_8 = vector.broadcast %xor3A : i32 to vector<128x10240xi32>
    %xor3A_9 = arith.xori %bitcast_convert_type3A, %xor3A_8 : vector<128x10240xi32>
    %select_n3A = arith.select %ge3A_7, %bitcast_convert_type3A, %xor3A_9 : vector<128x10240xi1>, vector<128x10240xi32>
    %and3A = arith.constant -128 : i32
    %and3A_10 = vector.broadcast %and3A : i32 to vector<128x10240xi32>
    %and3A_11 = arith.andi %select_n3A, %and3A_10 : vector<128x10240xi32>
    %swap3A = arith.constant 0 : index
    %swap3A_12 = arith.constant 0 : index
    %swap3A_13 = vector.load %arg4[%swap3A, %swap3A_12] : memref<128x10240xi32, #tpu.memory_space<vmem>>, vector<128x10240xi32>
    tpu.vector_store %arg4[%swap3A, %swap3A_12], %and3A_11 {strides = array<i32>} : memref<128x10240xi32, #tpu.memory_space<vmem>>, vector<128x10240xi32>,
    %iota3A = tpu.iota {dimensions = array<i32: 1>} : vector<128x128xi32>
    %broadcast_in_dim3A = arith.constant -2147483648 : i32
    %broadcast_in_dim3A_14 = vector.broadcast %broadcast_in_dim3A : i32 to vector<128x128xi32>
    %broadcast_in_dim3A_15 = arith.constant -2147483648 : i32
    %broadcast_in_dim3A_16 = vector.broadcast %broadcast_in_dim3A_15 : i32 to vector<128x128xi32>
    %broadcast_in_dim3A_17 = arith.constant -2147483648 : i32
    %broadcast_in_dim3A_18 = vector.broadcast %broadcast_in_dim3A_17 : i32 to vector<128x128xi32>
    %broadcast_in_dim3A_19 = arith.constant -2147483648 : i32
    %broadcast_in_dim3A_20 = vector.broadcast %broadcast_in_dim3A_19 : i32 to vector<128x128xi32>
    %broadcast_in_dim3A_21 = arith.constant -2147483648 : i32
    %broadcast_in_dim3A_22 = vector.broadcast %broadcast_in_dim3A_21 : i32 to vector<128x128xi32>
    %broadcast_in_dim3A_23 = arith.constant -2147483648 : i32
    %broadcast_in_dim3A_24 = vector.broadcast %broadcast_in_dim3A_23 : i32 to vector<128x128xi32>
    %broadcast_in_dim3A_25 = arith.constant -2147483648 : i32
    %broadcast_in_dim3A_26 = vector.broadcast %broadcast_in_dim3A_25 : i32 to vector<128x128xi32>
    %broadcast_in_dim3A_27 = arith.constant -2147483648 : i32
    %broadcast_in_dim3A_28 = vector.broadcast %broadcast_in_dim3A_27 : i32 to vector<128x128xi32>
    %scan3A = arith.constant 0 : i32
    %scan3A_29 = arith.constant 78 : i32
    %scan3A_30 = arith.addi %scan3A, %scan3A_29 : i32
    %scan3A_31 = arith.constant 1 : i32
    %scan3A_32:8 = scf.for %scan3A_1144 = %scan3A to %scan3A_30 step %scan3A_31 iter_args(%scan3A_1145 = %broadcast_in_dim3A_14, %scan3A_1146 = %broadcast_in_dim3A_16, %scan3A_1147 = %broadcast_in_dim3A_18, %scan3A_1148 = %broadcast_in_dim3A_20, %scan3A_1149 = %broadcast_in_dim3A_22, %scan3A_1150 = %broadcast_in_dim3A_24, %scan3A_1151 = %broadcast_in_dim3A_26, %scan3A_1152 = %broadcast_in_dim3A_28) -> (vector<128x128xi32>, vector<128x128xi32>, vector<128x128xi32>, vector<128x128xi32>, vector<128x128xi32>, vector<128x128xi32>, vector<128x128xi32>, vector<128x128xi32>)  : i32 {
      %mul3A_1153 = arith.constant 128 : i32
      %mul3A_1154 = arith.muli %scan3A_1144, %mul3A_1153 : i32
      %get3A_1155 = arith.constant 0 : index
      %get3A_1156 = arith.index_cast %mul3A_1154 : i32 to index
      %get3A_1157 = vector.load %arg4[%get3A_1155, %get3A_1156] : memref<128x10240xi32, #tpu.memory_space<vmem>>, vector<128x128xi32>
      %or3A_1158 = vector.broadcast %scan3A_1144 : i32 to vector<128x128xi32>
      %or3A_1159 = arith.ori %get3A_1157, %or3A_1158 : vector<128x128xi32>
      %max3A_1160 = arith.maxsi %scan3A_1145, %or3A_1159 : vector<128x128xi32>
      %min3A_1161 = arith.minsi %scan3A_1145, %or3A_1159 : vector<128x128xi32>
      %max3A_1162 = arith.maxsi %scan3A_1146, %min3A_1161 : vector<128x128xi32>
      %min3A_1163 = arith.minsi %scan3A_1146, %min3A_1161 : vector<128x128xi32>
      %max3A_1164 = arith.maxsi %scan3A_1147, %min3A_1163 : vector<128x128xi32>
      %min3A_1165 = arith.minsi %scan3A_1147, %min3A_1163 : vector<128x128xi32>
      %max3A_1166 = arith.maxsi %scan3A_1148, %min3A_1165 : vector<128x128xi32>
      %min3A_1167 = arith.minsi %scan3A_1148, %min3A_1165 : vector<128x128xi32>
      %max3A_1168 = arith.maxsi %scan3A_1149, %min3A_1167 : vector<128x128xi32>
      %min3A_1169 = arith.minsi %scan3A_1149, %min3A_1167 : vector<128x128xi32>
      %max3A_1170 = arith.maxsi %scan3A_1150, %min3A_1169 : vector<128x128xi32>
      %min3A_1171 = arith.minsi %scan3A_1150, %min3A_1169 : vector<128x128xi32>
      %max3A_1172 = arith.maxsi %scan3A_1151, %min3A_1171 : vector<128x128xi32>
      %min3A_1173 = arith.minsi %scan3A_1151, %min3A_1171 : vector<128x128xi32>
      %max3A_1174 = arith.maxsi %scan3A_1152, %min3A_1173 : vector<128x128xi32>
      scf.yield %max3A_1160, %max3A_1162, %max3A_1164, %max3A_1166, %max3A_1168, %max3A_1170, %max3A_1172, %max3A_1174 : vector<128x128xi32>, vector<128x128xi32>, vector<128x128xi32>, vector<128x128xi32>, vector<128x128xi32>, vector<128x128xi32>, vector<128x128xi32>, vector<128x128xi32>
    }
    %scan3A_33 = arith.constant 78 : i32
    %get3A_34 = arith.constant 0 : index
    %get3A_35 = arith.constant 9984 : index
    %get3A_36 = vector.load %arg4[%get3A_34, %get3A_35] : memref<128x10240xi32, #tpu.memory_space<vmem>>, vector<128x128xi32>
    %or3A = arith.constant 78 : i32
    %or3A_37 = vector.broadcast %or3A : i32 to vector<128x128xi32>
    %or3A_38 = arith.ori %get3A_36, %or3A_37 : vector<128x128xi32>
    %lt3A = arith.constant 16 : i32
    %lt3A_39 = vector.broadcast %lt3A : i32 to vector<128x128xi32>
    %lt3A_40 = arith.cmpi slt, %iota3A, %lt3A_39 : vector<128x128xi32>
    %jit3A = arith.constant -2147483648 : i32
    %broadcast_in_dim3A_41 = vector.broadcast %jit3A : i32 to vector<128x128xi32>
    %select_n3A_42 = arith.select %lt3A_40, %or3A_38, %broadcast_in_dim3A_41 : vector<128x128xi1>, vector<128x128xi32>
    %max3A = arith.maxsi %scan3A_32#0, %select_n3A_42 : vector<128x128xi32>
    %min3A = arith.minsi %scan3A_32#0, %select_n3A_42 : vector<128x128xi32>
    %max3A_43 = arith.maxsi %scan3A_32#1, %min3A : vector<128x128xi32>
    %min3A_44 = arith.minsi %scan3A_32#1, %min3A : vector<128x128xi32>
    %max3A_45 = arith.maxsi %scan3A_32#2, %min3A_44 : vector<128x128xi32>
    %min3A_46 = arith.minsi %scan3A_32#2, %min3A_44 : vector<128x128xi32>
    %max3A_47 = arith.maxsi %scan3A_32#3, %min3A_46 : vector<128x128xi32>
    %min3A_48 = arith.minsi %scan3A_32#3, %min3A_46 : vector<128x128xi32>
    %max3A_49 = arith.maxsi %scan3A_32#4, %min3A_48 : vector<128x128xi32>
    %min3A_50 = arith.minsi %scan3A_32#4, %min3A_48 : vector<128x128xi32>
    %max3A_51 = arith.maxsi %scan3A_32#5, %min3A_50 : vector<128x128xi32>
    %min3A_52 = arith.minsi %scan3A_32#5, %min3A_50 : vector<128x128xi32>
    %max3A_53 = arith.maxsi %scan3A_32#6, %min3A_52 : vector<128x128xi32>
    %min3A_54 = arith.minsi %scan3A_32#6, %min3A_52 : vector<128x128xi32>
    %max3A_55 = arith.maxsi %scan3A_32#7, %min3A_54 : vector<128x128xi32>
    %stack3A = vector.shape_cast %max3A : vector<128x128xi32> to vector<128x1x128xi32>
    %stack3A_56 = vector.shape_cast %max3A_43 : vector<128x128xi32> to vector<128x1x128xi32>
    %stack3A_57 = vector.shape_cast %max3A_45 : vector<128x128xi32> to vector<128x1x128xi32>
    %stack3A_58 = vector.shape_cast %max3A_47 : vector<128x128xi32> to vector<128x1x128xi32>
    %stack3A_59 = vector.shape_cast %max3A_49 : vector<128x128xi32> to vector<128x1x128xi32>
    %stack3A_60 = vector.shape_cast %max3A_51 : vector<128x128xi32> to vector<128x1x128xi32>
    %stack3A_61 = vector.shape_cast %max3A_53 : vector<128x128xi32> to vector<128x1x128xi32>
    %stack3A_62 = vector.shape_cast %max3A_55 : vector<128x128xi32> to vector<128x1x128xi32>
    %stack3A_63 = tpu.concatenate %stack3A, %stack3A_56, %stack3A_57, %stack3A_58, %stack3A_59, %stack3A_60, %stack3A_61, %stack3A_62 in 1 : vector<128x1x128xi32>, vector<128x1x128xi32>, vector<128x1x128xi32>, vector<128x1x128xi32>, vector<128x1x128xi32>, vector<128x1x128xi32>, vector<128x1x128xi32>, vector<128x1x128xi32> -> vector<128x8x128xi32>
    %broadcast_in_dim3A_64 = arith.constant -2147483648 : i32
    %broadcast_in_dim3A_65 = vector.broadcast %broadcast_in_dim3A_64 : i32 to vector<128x1x128xi32>
    %broadcast_in_dim3A_66 = arith.constant 0 : i32
    %broadcast_in_dim3A_67 = vector.broadcast %broadcast_in_dim3A_66 : i32 to vector<128x128xi32>
    %slice3A = vector.extract_strided_slice %stack3A_63 {offsets = [0, 0, 0], sizes = [128, 1, 128], strides = [1, 1, 1]} : vector<128x8x128xi32> to vector<128x1x128xi32>
    %squeeze3A = vector.shape_cast %slice3A : vector<128x1x128xi32> to vector<128x128xi32>
    %reduce_max3A = arith.constant dense<-2147483648> : vector<128xi32>
    %reduce_max3A_68 = vector.multi_reduction <maxsi>, %squeeze3A, %reduce_max3A [1] : vector<128x128xi32> to vector<128xi32>
    %broadcast_in_dim3A_69 = vector.shape_cast %reduce_max3A_68 : vector<128xi32> to vector<128x1xi32>
    %eq3A = vector.broadcast %broadcast_in_dim3A_69 : vector<128x1xi32> to vector<128x128xi32>
    %eq3A_70 = arith.cmpi eq, %squeeze3A, %eq3A : vector<128x128xi32>
    %jit3A_71 = arith.constant 1048576 : i32
    %broadcast_in_dim3A_72 = vector.broadcast %jit3A_71 : i32 to vector<128x128xi32>
    %select_n3A_73 = arith.select %eq3A_70, %iota3A, %broadcast_in_dim3A_72 : vector<128x128xi1>, vector<128x128xi32>
    %reduce_min3A = arith.constant dense<2147483647> : vector<128xi32>
    %reduce_min3A_74 = vector.multi_reduction <minsi>, %select_n3A_73, %reduce_min3A [1] : vector<128x128xi32> to vector<128xi32>
    %broadcast_in_dim3A_75 = vector.shape_cast %reduce_min3A_74 : vector<128xi32> to vector<128x1xi32>
    %and3A_76 = arith.constant 127 : i32
    %and3A_77 = vector.broadcast %and3A_76 : i32 to vector<128x1xi32>
    %and3A_78 = arith.andi %broadcast_in_dim3A_69, %and3A_77 : vector<128x1xi32>
    %mul3A = arith.constant 128 : i32
    %mul3A_79 = vector.broadcast %mul3A : i32 to vector<128x1xi32>
    %mul3A_80 = arith.muli %and3A_78, %mul3A_79 : vector<128x1xi32>
    %add3A = arith.addi %mul3A_80, %broadcast_in_dim3A_75 : vector<128x1xi32>
    %eq3A_81 = arith.constant 0 : i32
    %eq3A_82 = vector.broadcast %eq3A_81 : i32 to vector<128x128xi32>
    %eq3A_83 = arith.cmpi eq, %iota3A, %eq3A_82 : vector<128x128xi32>
    %broadcast_in_dim3A_84 = vector.shape_cast %add3A : vector<128x1xi32> to vector<128x1xi32>
    %broadcast_in_dim3A_85 = vector.broadcast %broadcast_in_dim3A_84 : vector<128x1xi32> to vector<128x128xi32>
    %select_n3A_86 = arith.select %eq3A_83, %broadcast_in_dim3A_85, %broadcast_in_dim3A_67 : vector<128x128xi1>, vector<128x128xi32>
    %slice3A_87 = vector.extract_strided_slice %stack3A_63 {offsets = [0, 1, 0], sizes = [128, 7, 128], strides = [1, 1, 1]} : vector<128x8x128xi32> to vector<128x7x128xi32>
    %concatenate3A = tpu.concatenate %slice3A_87, %broadcast_in_dim3A_65 in 1 : vector<128x7x128xi32>, vector<128x1x128xi32> -> vector<128x8x128xi32>
    %eq3A_88 = vector.broadcast %broadcast_in_dim3A_75 : vector<128x1xi32> to vector<128x128xi32>
    %eq3A_89 = arith.cmpi eq, %iota3A, %eq3A_88 : vector<128x128xi32>
    %broadcast_in_dim3A_90 = vector.shape_cast %eq3A_89 : vector<128x128xi1> to vector<128x1x128xi1>
    %broadcast_in_dim3A_91 = vector.shape_cast %broadcast_in_dim3A_90 : vector<128x1x128xi1> to vector<128x1x128xi1>
    %broadcast_in_dim3A_92 = vector.broadcast %broadcast_in_dim3A_91 : vector<128x1x128xi1> to vector<128x8x128xi1>
    %select_n3A_93 = arith.select %broadcast_in_dim3A_92, %concatenate3A, %stack3A_63 : vector<128x8x128xi1>, vector<128x8x128xi32>
    %slice3A_94 = vector.extract_strided_slice %select_n3A_93 {offsets = [0, 0, 0], sizes = [128, 1, 128], strides = [1, 1, 1]} : vector<128x8x128xi32> to vector<128x1x128xi32>
    %squeeze3A_95 = vector.shape_cast %slice3A_94 : vector<128x1x128xi32> to vector<128x128xi32>
    %reduce_max3A_96 = arith.constant dense<-2147483648> : vector<128xi32>
    %reduce_max3A_97 = vector.multi_reduction <maxsi>, %squeeze3A_95, %reduce_max3A_96 [1] : vector<128x128xi32> to vector<128xi32>
    %broadcast_in_dim3A_98 = vector.shape_cast %reduce_max3A_97 : vector<128xi32> to vector<128x1xi32>
    %eq3A_99 = vector.broadcast %broadcast_in_dim3A_98 : vector<128x1xi32> to vector<128x128xi32>
    %eq3A_100 = arith.cmpi eq, %squeeze3A_95, %eq3A_99 : vector<128x128xi32>
    %jit3A_101 = arith.constant 1048576 : i32
    %broadcast_in_dim3A_102 = vector.broadcast %jit3A_101 : i32 to vector<128x128xi32>
    %select_n3A_103 = arith.select %eq3A_100, %iota3A, %broadcast_in_dim3A_102 : vector<128x128xi1>, vector<128x128xi32>
    %reduce_min3A_104 = arith.constant dense<2147483647> : vector<128xi32>
    %reduce_min3A_105 = vector.multi_reduction <minsi>, %select_n3A_103, %reduce_min3A_104 [1] : vector<128x128xi32> to vector<128xi32>
    %broadcast_in_dim3A_106 = vector.shape_cast %reduce_min3A_105 : vector<128xi32> to vector<128x1xi32>
    %and3A_107 = arith.constant 127 : i32
    %and3A_108 = vector.broadcast %and3A_107 : i32 to vector<128x1xi32>
    %and3A_109 = arith.andi %broadcast_in_dim3A_98, %and3A_108 : vector<128x1xi32>
    %mul3A_110 = arith.constant 128 : i32
    %mul3A_111 = vector.broadcast %mul3A_110 : i32 to vector<128x1xi32>
    %mul3A_112 = arith.muli %and3A_109, %mul3A_111 : vector<128x1xi32>
    %add3A_113 = arith.addi %mul3A_112, %broadcast_in_dim3A_106 : vector<128x1xi32>
    %eq3A_114 = arith.constant 1 : i32
    %eq3A_115 = vector.broadcast %eq3A_114 : i32 to vector<128x128xi32>
    %eq3A_116 = arith.cmpi eq, %iota3A, %eq3A_115 : vector<128x128xi32>
    %broadcast_in_dim3A_117 = vector.shape_cast %add3A_113 : vector<128x1xi32> to vector<128x1xi32>
    %broadcast_in_dim3A_118 = vector.broadcast %broadcast_in_dim3A_117 : vector<128x1xi32> to vector<128x128xi32>
    %select_n3A_119 = arith.select %eq3A_116, %broadcast_in_dim3A_118, %select_n3A_86 : vector<128x128xi1>, vector<128x128xi32>
    %slice3A_120 = vector.extract_strided_slice %select_n3A_93 {offsets = [0, 1, 0], sizes = [128, 7, 128], strides = [1, 1, 1]} : vector<128x8x128xi32> to vector<128x7x128xi32>
    %concatenate3A_121 = tpu.concatenate %slice3A_120, %broadcast_in_dim3A_65 in 1 : vector<128x7x128xi32>, vector<128x1x128xi32> -> vector<128x8x128xi32>
    %eq3A_122 = vector.broadcast %broadcast_in_dim3A_106 : vector<128x1xi32> to vector<128x128xi32>
    %eq3A_123 = arith.cmpi eq, %iota3A, %eq3A_122 : vector<128x128xi32>
    %broadcast_in_dim3A_124 = vector.shape_cast %eq3A_123 : vector<128x128xi1> to vector<128x1x128xi1>
    %broadcast_in_dim3A_125 = vector.shape_cast %broadcast_in_dim3A_124 : vector<128x1x128xi1> to vector<128x1x128xi1>
    %broadcast_in_dim3A_126 = vector.broadcast %broadcast_in_dim3A_125 : vector<128x1x128xi1> to vector<128x8x128xi1>
    %select_n3A_127 = arith.select %broadcast_in_dim3A_126, %concatenate3A_121, %select_n3A_93 : vector<128x8x128xi1>, vector<128x8x128xi32>
    %slice3A_128 = vector.extract_strided_slice %select_n3A_127 {offsets = [0, 0, 0], sizes = [128, 1, 128], strides = [1, 1, 1]} : vector<128x8x128xi32> to vector<128x1x128xi32>
    %squeeze3A_129 = vector.shape_cast %slice3A_128 : vector<128x1x128xi32> to vector<128x128xi32>
    %reduce_max3A_130 = arith.constant dense<-2147483648> : vector<128xi32>
    %reduce_max3A_131 = vector.multi_reduction <maxsi>, %squeeze3A_129, %reduce_max3A_130 [1] : vector<128x128xi32> to vector<128xi32>
    %broadcast_in_dim3A_132 = vector.shape_cast %reduce_max3A_131 : vector<128xi32> to vector<128x1xi32>
    %eq3A_133 = vector.broadcast %broadcast_in_dim3A_132 : vector<128x1xi32> to vector<128x128xi32>
    %eq3A_134 = arith.cmpi eq, %squeeze3A_129, %eq3A_133 : vector<128x128xi32>
    %jit3A_135 = arith.constant 1048576 : i32
    %broadcast_in_dim3A_136 = vector.broadcast %jit3A_135 : i32 to vector<128x128xi32>
    %select_n3A_137 = arith.select %eq3A_134, %iota3A, %broadcast_in_dim3A_136 : vector<128x128xi1>, vector<128x128xi32>
    %reduce_min3A_138 = arith.constant dense<2147483647> : vector<128xi32>
    %reduce_min3A_139 = vector.multi_reduction <minsi>, %select_n3A_137, %reduce_min3A_138 [1] : vector<128x128xi32> to vector<128xi32>
    %broadcast_in_dim3A_140 = vector.shape_cast %reduce_min3A_139 : vector<128xi32> to vector<128x1xi32>
    %and3A_141 = arith.constant 127 : i32
    %and3A_142 = vector.broadcast %and3A_141 : i32 to vector<128x1xi32>
    %and3A_143 = arith.andi %broadcast_in_dim3A_132, %and3A_142 : vector<128x1xi32>
    %mul3A_144 = arith.constant 128 : i32
    %mul3A_145 = vector.broadcast %mul3A_144 : i32 to vector<128x1xi32>
    %mul3A_146 = arith.muli %and3A_143, %mul3A_145 : vector<128x1xi32>
    %add3A_147 = arith.addi %mul3A_146, %broadcast_in_dim3A_140 : vector<128x1xi32>
    %eq3A_148 = arith.constant 2 : i32
    %eq3A_149 = vector.broadcast %eq3A_148 : i32 to vector<128x128xi32>
    %eq3A_150 = arith.cmpi eq, %iota3A, %eq3A_149 : vector<128x128xi32>
    %broadcast_in_dim3A_151 = vector.shape_cast %add3A_147 : vector<128x1xi32> to vector<128x1xi32>
    %broadcast_in_dim3A_152 = vector.broadcast %broadcast_in_dim3A_151 : vector<128x1xi32> to vector<128x128xi32>
    %select_n3A_153 = arith.select %eq3A_150, %broadcast_in_dim3A_152, %select_n3A_119 : vector<128x128xi1>, vector<128x128xi32>
    %slice3A_154 = vector.extract_strided_slice %select_n3A_127 {offsets = [0, 1, 0], sizes = [128, 7, 128], strides = [1, 1, 1]} : vector<128x8x128xi32> to vector<128x7x128xi32>
    %concatenate3A_155 = tpu.concatenate %slice3A_154, %broadcast_in_dim3A_65 in 1 : vector<128x7x128xi32>, vector<128x1x128xi32> -> vector<128x8x128xi32>
    %eq3A_156 = vector.broadcast %broadcast_in_dim3A_140 : vector<128x1xi32> to vector<128x128xi32>
    %eq3A_157 = arith.cmpi eq, %iota3A, %eq3A_156 : vector<128x128xi32>
    %broadcast_in_dim3A_158 = vector.shape_cast %eq3A_157 : vector<128x128xi1> to vector<128x1x128xi1>
    %broadcast_in_dim3A_159 = vector.shape_cast %broadcast_in_dim3A_158 : vector<128x1x128xi1> to vector<128x1x128xi1>
    %broadcast_in_dim3A_160 = vector.broadcast %broadcast_in_dim3A_159 : vector<128x1x128xi1> to vector<128x8x128xi1>
    %select_n3A_161 = arith.select %broadcast_in_dim3A_160, %concatenate3A_155, %select_n3A_127 : vector<128x8x128xi1>, vector<128x8x128xi32>
    %slice3A_162 = vector.extract_strided_slice %select_n3A_161 {offsets = [0, 0, 0], sizes = [128, 1, 128], strides = [1, 1, 1]} : vector<128x8x128xi32> to vector<128x1x128xi32>
    %squeeze3A_163 = vector.shape_cast %slice3A_162 : vector<128x1x128xi32> to vector<128x128xi32>
    %reduce_max3A_164 = arith.constant dense<-2147483648> : vector<128xi32>
    %reduce_max3A_165 = vector.multi_reduction <maxsi>, %squeeze3A_163, %reduce_max3A_164 [1] : vector<128x128xi32> to vector<128xi32>
    %broadcast_in_dim3A_166 = vector.shape_cast %reduce_max3A_165 : vector<128xi32> to vector<128x1xi32>
    %eq3A_167 = vector.broadcast %broadcast_in_dim3A_166 : vector<128x1xi32> to vector<128x128xi32>
    %eq3A_168 = arith.cmpi eq, %squeeze3A_163, %eq3A_167 : vector<128x128xi32>
    %jit3A_169 = arith.constant 1048576 : i32
    %broadcast_in_dim3A_170 = vector.broadcast %jit3A_169 : i32 to vector<128x128xi32>
    %select_n3A_171 = arith.select %eq3A_168, %iota3A, %broadcast_in_dim3A_170 : vector<128x128xi1>, vector<128x128xi32>
    %reduce_min3A_172 = arith.constant dense<2147483647> : vector<128xi32>
    %reduce_min3A_173 = vector.multi_reduction <minsi>, %select_n3A_171, %reduce_min3A_172 [1] : vector<128x128xi32> to vector<128xi32>
    %broadcast_in_dim3A_174 = vector.shape_cast %reduce_min3A_173 : vector<128xi32> to vector<128x1xi32>
    %and3A_175 = arith.constant 127 : i32
    %and3A_176 = vector.broadcast %and3A_175 : i32 to vector<128x1xi32>
    %and3A_177 = arith.andi %broadcast_in_dim3A_166, %and3A_176 : vector<128x1xi32>
    %mul3A_178 = arith.constant 128 : i32
    %mul3A_179 = vector.broadcast %mul3A_178 : i32 to vector<128x1xi32>
    %mul3A_180 = arith.muli %and3A_177, %mul3A_179 : vector<128x1xi32>
    %add3A_181 = arith.addi %mul3A_180, %broadcast_in_dim3A_174 : vector<128x1xi32>
    %eq3A_182 = arith.constant 3 : i32
    %eq3A_183 = vector.broadcast %eq3A_182 : i32 to vector<128x128xi32>
    %eq3A_184 = arith.cmpi eq, %iota3A, %eq3A_183 : vector<128x128xi32>
    %broadcast_in_dim3A_185 = vector.shape_cast %add3A_181 : vector<128x1xi32> to vector<128x1xi32>
    %broadcast_in_dim3A_186 = vector.broadcast %broadcast_in_dim3A_185 : vector<128x1xi32> to vector<128x128xi32>
    %select_n3A_187 = arith.select %eq3A_184, %broadcast_in_dim3A_186, %select_n3A_153 : vector<128x128xi1>, vector<128x128xi32>
    %slice3A_188 = vector.extract_strided_slice %select_n3A_161 {offsets = [0, 1, 0], sizes = [128, 7, 128], strides = [1, 1, 1]} : vector<128x8x128xi32> to vector<128x7x128xi32>
    %concatenate3A_189 = tpu.concatenate %slice3A_188, %broadcast_in_dim3A_65 in 1 : vector<128x7x128xi32>, vector<128x1x128xi32> -> vector<128x8x128xi32>
    %eq3A_190 = vector.broadcast %broadcast_in_dim3A_174 : vector<128x1xi32> to vector<128x128xi32>
    %eq3A_191 = arith.cmpi eq, %iota3A, %eq3A_190 : vector<128x128xi32>
    %broadcast_in_dim3A_192 = vector.shape_cast %eq3A_191 : vector<128x128xi1> to vector<128x1x128xi1>
    %broadcast_in_dim3A_193 = vector.shape_cast %broadcast_in_dim3A_192 : vector<128x1x128xi1> to vector<128x1x128xi1>
    %broadcast_in_dim3A_194 = vector.broadcast %broadcast_in_dim3A_193 : vector<128x1x128xi1> to vector<128x8x128xi1>
    %select_n3A_195 = arith.select %broadcast_in_dim3A_194, %concatenate3A_189, %select_n3A_161 : vector<128x8x128xi1>, vector<128x8x128xi32>
    %slice3A_196 = vector.extract_strided_slice %select_n3A_195 {offsets = [0, 0, 0], sizes = [128, 1, 128], strides = [1, 1, 1]} : vector<128x8x128xi32> to vector<128x1x128xi32>
    %squeeze3A_197 = vector.shape_cast %slice3A_196 : vector<128x1x128xi32> to vector<128x128xi32>
    %reduce_max3A_198 = arith.constant dense<-2147483648> : vector<128xi32>
    %reduce_max3A_199 = vector.multi_reduction <maxsi>, %squeeze3A_197, %reduce_max3A_198 [1] : vector<128x128xi32> to vector<128xi32>
    %broadcast_in_dim3A_200 = vector.shape_cast %reduce_max3A_199 : vector<128xi32> to vector<128x1xi32>
    %eq3A_201 = vector.broadcast %broadcast_in_dim3A_200 : vector<128x1xi32> to vector<128x128xi32>
    %eq3A_202 = arith.cmpi eq, %squeeze3A_197, %eq3A_201 : vector<128x128xi32>
    %jit3A_203 = arith.constant 1048576 : i32
    %broadcast_in_dim3A_204 = vector.broadcast %jit3A_203 : i32 to vector<128x128xi32>
    %select_n3A_205 = arith.select %eq3A_202, %iota3A, %broadcast_in_dim3A_204 : vector<128x128xi1>, vector<128x128xi32>
    %reduce_min3A_206 = arith.constant dense<2147483647> : vector<128xi32>
    %reduce_min3A_207 = vector.multi_reduction <minsi>, %select_n3A_205, %reduce_min3A_206 [1] : vector<128x128xi32> to vector<128xi32>
    %broadcast_in_dim3A_208 = vector.shape_cast %reduce_min3A_207 : vector<128xi32> to vector<128x1xi32>
    %and3A_209 = arith.constant 127 : i32
    %and3A_210 = vector.broadcast %and3A_209 : i32 to vector<128x1xi32>
    %and3A_211 = arith.andi %broadcast_in_dim3A_200, %and3A_210 : vector<128x1xi32>
    %mul3A_212 = arith.constant 128 : i32
    %mul3A_213 = vector.broadcast %mul3A_212 : i32 to vector<128x1xi32>
    %mul3A_214 = arith.muli %and3A_211, %mul3A_213 : vector<128x1xi32>
    %add3A_215 = arith.addi %mul3A_214, %broadcast_in_dim3A_208 : vector<128x1xi32>
    %eq3A_216 = arith.constant 4 : i32
    %eq3A_217 = vector.broadcast %eq3A_216 : i32 to vector<128x128xi32>
    %eq3A_218 = arith.cmpi eq, %iota3A, %eq3A_217 : vector<128x128xi32>
    %broadcast_in_dim3A_219 = vector.shape_cast %add3A_215 : vector<128x1xi32> to vector<128x1xi32>
    %broadcast_in_dim3A_220 = vector.broadcast %broadcast_in_dim3A_219 : vector<128x1xi32> to vector<128x128xi32>
    %select_n3A_221 = arith.select %eq3A_218, %broadcast_in_dim3A_220, %select_n3A_187 : vector<128x128xi1>, vector<128x128xi32>
    %slice3A_222 = vector.extract_strided_slice %select_n3A_195 {offsets = [0, 1, 0], sizes = [128, 7, 128], strides = [1, 1, 1]} : vector<128x8x128xi32> to vector<128x7x128xi32>
    %concatenate3A_223 = tpu.concatenate %slice3A_222, %broadcast_in_dim3A_65 in 1 : vector<128x7x128xi32>, vector<128x1x128xi32> -> vector<128x8x128xi32>
    %eq3A_224 = vector.broadcast %broadcast_in_dim3A_208 : vector<128x1xi32> to vector<128x128xi32>
    %eq3A_225 = arith.cmpi eq, %iota3A, %eq3A_224 : vector<128x128xi32>
    %broadcast_in_dim3A_226 = vector.shape_cast %eq3A_225 : vector<128x128xi1> to vector<128x1x128xi1>
    %broadcast_in_dim3A_227 = vector.shape_cast %broadcast_in_dim3A_226 : vector<128x1x128xi1> to vector<128x1x128xi1>
    %broadcast_in_dim3A_228 = vector.broadcast %broadcast_in_dim3A_227 : vector<128x1x128xi1> to vector<128x8x128xi1>
    %select_n3A_229 = arith.select %broadcast_in_dim3A_228, %concatenate3A_223, %select_n3A_195 : vector<128x8x128xi1>, vector<128x8x128xi32>
    %slice3A_230 = vector.extract_strided_slice %select_n3A_229 {offsets = [0, 0, 0], sizes = [128, 1, 128], strides = [1, 1, 1]} : vector<128x8x128xi32> to vector<128x1x128xi32>
    %squeeze3A_231 = vector.shape_cast %slice3A_230 : vector<128x1x128xi32> to vector<128x128xi32>
    %reduce_max3A_232 = arith.constant dense<-2147483648> : vector<128xi32>
    %reduce_max3A_233 = vector.multi_reduction <maxsi>, %squeeze3A_231, %reduce_max3A_232 [1] : vector<128x128xi32> to vector<128xi32>
    %broadcast_in_dim3A_234 = vector.shape_cast %reduce_max3A_233 : vector<128xi32> to vector<128x1xi32>
    %eq3A_235 = vector.broadcast %broadcast_in_dim3A_234 : vector<128x1xi32> to vector<128x128xi32>
    %eq3A_236 = arith.cmpi eq, %squeeze3A_231, %eq3A_235 : vector<128x128xi32>
    %jit3A_237 = arith.constant 1048576 : i32
    %broadcast_in_dim3A_238 = vector.broadcast %jit3A_237 : i32 to vector<128x128xi32>
    %select_n3A_239 = arith.select %eq3A_236, %iota3A, %broadcast_in_dim3A_238 : vector<128x128xi1>, vector<128x128xi32>
    %reduce_min3A_240 = arith.constant dense<2147483647> : vector<128xi32>
    %reduce_min3A_241 = vector.multi_reduction <minsi>, %select_n3A_239, %reduce_min3A_240 [1] : vector<128x128xi32> to vector<128xi32>
    %broadcast_in_dim3A_242 = vector.shape_cast %reduce_min3A_241 : vector<128xi32> to vector<128x1xi32>
    %and3A_243 = arith.constant 127 : i32
    %and3A_244 = vector.broadcast %and3A_243 : i32 to vector<128x1xi32>
    %and3A_245 = arith.andi %broadcast_in_dim3A_234, %and3A_244 : vector<128x1xi32>
    %mul3A_246 = arith.constant 128 : i32
    %mul3A_247 = vector.broadcast %mul3A_246 : i32 to vector<128x1xi32>
    %mul3A_248 = arith.muli %and3A_245, %mul3A_247 : vector<128x1xi32>
    %add3A_249 = arith.addi %mul3A_248, %broadcast_in_dim3A_242 : vector<128x1xi32>
    %eq3A_250 = arith.constant 5 : i32
    %eq3A_251 = vector.broadcast %eq3A_250 : i32 to vector<128x128xi32>
    %eq3A_252 = arith.cmpi eq, %iota3A, %eq3A_251 : vector<128x128xi32>
    %broadcast_in_dim3A_253 = vector.shape_cast %add3A_249 : vector<128x1xi32> to vector<128x1xi32>
    %broadcast_in_dim3A_254 = vector.broadcast %broadcast_in_dim3A_253 : vector<128x1xi32> to vector<128x128xi32>
    %select_n3A_255 = arith.select %eq3A_252, %broadcast_in_dim3A_254, %select_n3A_221 : vector<128x128xi1>, vector<128x128xi32>
    %slice3A_256 = vector.extract_strided_slice %select_n3A_229 {offsets = [0, 1, 0], sizes = [128, 7, 128], strides = [1, 1, 1]} : vector<128x8x128xi32> to vector<128x7x128xi32>
    %concatenate3A_257 = tpu.concatenate %slice3A_256, %broadcast_in_dim3A_65 in 1 : vector<128x7x128xi32>, vector<128x1x128xi32> -> vector<128x8x128xi32>
    %eq3A_258 = vector.broadcast %broadcast_in_dim3A_242 : vector<128x1xi32> to vector<128x128xi32>
    %eq3A_259 = arith.cmpi eq, %iota3A, %eq3A_258 : vector<128x128xi32>
    %broadcast_in_dim3A_260 = vector.shape_cast %eq3A_259 : vector<128x128xi1> to vector<128x1x128xi1>
    %broadcast_in_dim3A_261 = vector.shape_cast %broadcast_in_dim3A_260 : vector<128x1x128xi1> to vector<128x1x128xi1>
    %broadcast_in_dim3A_262 = vector.broadcast %broadcast_in_dim3A_261 : vector<128x1x128xi1> to vector<128x8x128xi1>
    %select_n3A_263 = arith.select %broadcast_in_dim3A_262, %concatenate3A_257, %select_n3A_229 : vector<128x8x128xi1>, vector<128x8x128xi32>
    %slice3A_264 = vector.extract_strided_slice %select_n3A_263 {offsets = [0, 0, 0], sizes = [128, 1, 128], strides = [1, 1, 1]} : vector<128x8x128xi32> to vector<128x1x128xi32>
    %squeeze3A_265 = vector.shape_cast %slice3A_264 : vector<128x1x128xi32> to vector<128x128xi32>
    %reduce_max3A_266 = arith.constant dense<-2147483648> : vector<128xi32>
    %reduce_max3A_267 = vector.multi_reduction <maxsi>, %squeeze3A_265, %reduce_max3A_266 [1] : vector<128x128xi32> to vector<128xi32>
    %broadcast_in_dim3A_268 = vector.shape_cast %reduce_max3A_267 : vector<128xi32> to vector<128x1xi32>
    %eq3A_269 = vector.broadcast %broadcast_in_dim3A_268 : vector<128x1xi32> to vector<128x128xi32>
    %eq3A_270 = arith.cmpi eq, %squeeze3A_265, %eq3A_269 : vector<128x128xi32>
    %jit3A_271 = arith.constant 1048576 : i32
    %broadcast_in_dim3A_272 = vector.broadcast %jit3A_271 : i32 to vector<128x128xi32>
    %select_n3A_273 = arith.select %eq3A_270, %iota3A, %broadcast_in_dim3A_272 : vector<128x128xi1>, vector<128x128xi32>
    %reduce_min3A_274 = arith.constant dense<2147483647> : vector<128xi32>
    %reduce_min3A_275 = vector.multi_reduction <minsi>, %select_n3A_273, %reduce_min3A_274 [1] : vector<128x128xi32> to vector<128xi32>
    %broadcast_in_dim3A_276 = vector.shape_cast %reduce_min3A_275 : vector<128xi32> to vector<128x1xi32>
    %and3A_277 = arith.constant 127 : i32
    %and3A_278 = vector.broadcast %and3A_277 : i32 to vector<128x1xi32>
    %and3A_279 = arith.andi %broadcast_in_dim3A_268, %and3A_278 : vector<128x1xi32>
    %mul3A_280 = arith.constant 128 : i32
    %mul3A_281 = vector.broadcast %mul3A_280 : i32 to vector<128x1xi32>
    %mul3A_282 = arith.muli %and3A_279, %mul3A_281 : vector<128x1xi32>
    %add3A_283 = arith.addi %mul3A_282, %broadcast_in_dim3A_276 : vector<128x1xi32>
    %eq3A_284 = arith.constant 6 : i32
    %eq3A_285 = vector.broadcast %eq3A_284 : i32 to vector<128x128xi32>
    %eq3A_286 = arith.cmpi eq, %iota3A, %eq3A_285 : vector<128x128xi32>
    %broadcast_in_dim3A_287 = vector.shape_cast %add3A_283 : vector<128x1xi32> to vector<128x1xi32>
    %broadcast_in_dim3A_288 = vector.broadcast %broadcast_in_dim3A_287 : vector<128x1xi32> to vector<128x128xi32>
    %select_n3A_289 = arith.select %eq3A_286, %broadcast_in_dim3A_288, %select_n3A_255 : vector<128x128xi1>, vector<128x128xi32>
    %slice3A_290 = vector.extract_strided_slice %select_n3A_263 {offsets = [0, 1, 0], sizes = [128, 7, 128], strides = [1, 1, 1]} : vector<128x8x128xi32> to vector<128x7x128xi32>
    %concatenate3A_291 = tpu.concatenate %slice3A_290, %broadcast_in_dim3A_65 in 1 : vector<128x7x128xi32>, vector<128x1x128xi32> -> vector<128x8x128xi32>
    %eq3A_292 = vector.broadcast %broadcast_in_dim3A_276 : vector<128x1xi32> to vector<128x128xi32>
    %eq3A_293 = arith.cmpi eq, %iota3A, %eq3A_292 : vector<128x128xi32>
    %broadcast_in_dim3A_294 = vector.shape_cast %eq3A_293 : vector<128x128xi1> to vector<128x1x128xi1>
    %broadcast_in_dim3A_295 = vector.shape_cast %broadcast_in_dim3A_294 : vector<128x1x128xi1> to vector<128x1x128xi1>
    %broadcast_in_dim3A_296 = vector.broadcast %broadcast_in_dim3A_295 : vector<128x1x128xi1> to vector<128x8x128xi1>
    %select_n3A_297 = arith.select %broadcast_in_dim3A_296, %concatenate3A_291, %select_n3A_263 : vector<128x8x128xi1>, vector<128x8x128xi32>
    %slice3A_298 = vector.extract_strided_slice %select_n3A_297 {offsets = [0, 0, 0], sizes = [128, 1, 128], strides = [1, 1, 1]} : vector<128x8x128xi32> to vector<128x1x128xi32>
    %squeeze3A_299 = vector.shape_cast %slice3A_298 : vector<128x1x128xi32> to vector<128x128xi32>
    %reduce_max3A_300 = arith.constant dense<-2147483648> : vector<128xi32>
    %reduce_max3A_301 = vector.multi_reduction <maxsi>, %squeeze3A_299, %reduce_max3A_300 [1] : vector<128x128xi32> to vector<128xi32>
    %broadcast_in_dim3A_302 = vector.shape_cast %reduce_max3A_301 : vector<128xi32> to vector<128x1xi32>
    %eq3A_303 = vector.broadcast %broadcast_in_dim3A_302 : vector<128x1xi32> to vector<128x128xi32>
    %eq3A_304 = arith.cmpi eq, %squeeze3A_299, %eq3A_303 : vector<128x128xi32>
    %jit3A_305 = arith.constant 1048576 : i32
    %broadcast_in_dim3A_306 = vector.broadcast %jit3A_305 : i32 to vector<128x128xi32>
    %select_n3A_307 = arith.select %eq3A_304, %iota3A, %broadcast_in_dim3A_306 : vector<128x128xi1>, vector<128x128xi32>
    %reduce_min3A_308 = arith.constant dense<2147483647> : vector<128xi32>
    %reduce_min3A_309 = vector.multi_reduction <minsi>, %select_n3A_307, %reduce_min3A_308 [1] : vector<128x128xi32> to vector<128xi32>
    %broadcast_in_dim3A_310 = vector.shape_cast %reduce_min3A_309 : vector<128xi32> to vector<128x1xi32>
    %and3A_311 = arith.constant 127 : i32
    %and3A_312 = vector.broadcast %and3A_311 : i32 to vector<128x1xi32>
    %and3A_313 = arith.andi %broadcast_in_dim3A_302, %and3A_312 : vector<128x1xi32>
    %mul3A_314 = arith.constant 128 : i32
    %mul3A_315 = vector.broadcast %mul3A_314 : i32 to vector<128x1xi32>
    %mul3A_316 = arith.muli %and3A_313, %mul3A_315 : vector<128x1xi32>
    %add3A_317 = arith.addi %mul3A_316, %broadcast_in_dim3A_310 : vector<128x1xi32>
    %eq3A_318 = arith.constant 7 : i32
    %eq3A_319 = vector.broadcast %eq3A_318 : i32 to vector<128x128xi32>
    %eq3A_320 = arith.cmpi eq, %iota3A, %eq3A_319 : vector<128x128xi32>
    %broadcast_in_dim3A_321 = vector.shape_cast %add3A_317 : vector<128x1xi32> to vector<128x1xi32>
    %broadcast_in_dim3A_322 = vector.broadcast %broadcast_in_dim3A_321 : vector<128x1xi32> to vector<128x128xi32>
    %select_n3A_323 = arith.select %eq3A_320, %broadcast_in_dim3A_322, %select_n3A_289 : vector<128x128xi1>, vector<128x128xi32>
    %slice3A_324 = vector.extract_strided_slice %select_n3A_297 {offsets = [0, 1, 0], sizes = [128, 7, 128], strides = [1, 1, 1]} : vector<128x8x128xi32> to vector<128x7x128xi32>
    %concatenate3A_325 = tpu.concatenate %slice3A_324, %broadcast_in_dim3A_65 in 1 : vector<128x7x128xi32>, vector<128x1x128xi32> -> vector<128x8x128xi32>
    %eq3A_326 = vector.broadcast %broadcast_in_dim3A_310 : vector<128x1xi32> to vector<128x128xi32>
    %eq3A_327 = arith.cmpi eq, %iota3A, %eq3A_326 : vector<128x128xi32>
    %broadcast_in_dim3A_328 = vector.shape_cast %eq3A_327 : vector<128x128xi1> to vector<128x1x128xi1>
    %broadcast_in_dim3A_329 = vector.shape_cast %broadcast_in_dim3A_328 : vector<128x1x128xi1> to vector<128x1x128xi1>
    %broadcast_in_dim3A_330 = vector.broadcast %broadcast_in_dim3A_329 : vector<128x1x128xi1> to vector<128x8x128xi1>
    %select_n3A_331 = arith.select %broadcast_in_dim3A_330, %concatenate3A_325, %select_n3A_297 : vector<128x8x128xi1>, vector<128x8x128xi32>
    %slice3A_332 = vector.extract_strided_slice %select_n3A_331 {offsets = [0, 0, 0], sizes = [128, 1, 128], strides = [1, 1, 1]} : vector<128x8x128xi32> to vector<128x1x128xi32>
    %squeeze3A_333 = vector.shape_cast %slice3A_332 : vector<128x1x128xi32> to vector<128x128xi32>
    %reduce_max3A_334 = arith.constant dense<-2147483648> : vector<128xi32>
    %reduce_max3A_335 = vector.multi_reduction <maxsi>, %squeeze3A_333, %reduce_max3A_334 [1] : vector<128x128xi32> to vector<128xi32>
    %broadcast_in_dim3A_336 = vector.shape_cast %reduce_max3A_335 : vector<128xi32> to vector<128x1xi32>
    %eq3A_337 = vector.broadcast %broadcast_in_dim3A_336 : vector<128x1xi32> to vector<128x128xi32>
    %eq3A_338 = arith.cmpi eq, %squeeze3A_333, %eq3A_337 : vector<128x128xi32>
    %jit3A_339 = arith.constant 1048576 : i32
    %broadcast_in_dim3A_340 = vector.broadcast %jit3A_339 : i32 to vector<128x128xi32>
    %select_n3A_341 = arith.select %eq3A_338, %iota3A, %broadcast_in_dim3A_340 : vector<128x128xi1>, vector<128x128xi32>
    %reduce_min3A_342 = arith.constant dense<2147483647> : vector<128xi32>
    %reduce_min3A_343 = vector.multi_reduction <minsi>, %select_n3A_341, %reduce_min3A_342 [1] : vector<128x128xi32> to vector<128xi32>
    %broadcast_in_dim3A_344 = vector.shape_cast %reduce_min3A_343 : vector<128xi32> to vector<128x1xi32>
    %and3A_345 = arith.constant 127 : i32
    %and3A_346 = vector.broadcast %and3A_345 : i32 to vector<128x1xi32>
    %and3A_347 = arith.andi %broadcast_in_dim3A_336, %and3A_346 : vector<128x1xi32>
    %mul3A_348 = arith.constant 128 : i32
    %mul3A_349 = vector.broadcast %mul3A_348 : i32 to vector<128x1xi32>
    %mul3A_350 = arith.muli %and3A_347, %mul3A_349 : vector<128x1xi32>
    %add3A_351 = arith.addi %mul3A_350, %broadcast_in_dim3A_344 : vector<128x1xi32>
    %eq3A_352 = arith.constant 8 : i32
    %eq3A_353 = vector.broadcast %eq3A_352 : i32 to vector<128x128xi32>
    %eq3A_354 = arith.cmpi eq, %iota3A, %eq3A_353 : vector<128x128xi32>
    %broadcast_in_dim3A_355 = vector.shape_cast %add3A_351 : vector<128x1xi32> to vector<128x1xi32>
    %broadcast_in_dim3A_356 = vector.broadcast %broadcast_in_dim3A_355 : vector<128x1xi32> to vector<128x128xi32>
    %select_n3A_357 = arith.select %eq3A_354, %broadcast_in_dim3A_356, %select_n3A_323 : vector<128x128xi1>, vector<128x128xi32>
    %slice3A_358 = vector.extract_strided_slice %select_n3A_331 {offsets = [0, 1, 0], sizes = [128, 7, 128], strides = [1, 1, 1]} : vector<128x8x128xi32> to vector<128x7x128xi32>
    %concatenate3A_359 = tpu.concatenate %slice3A_358, %broadcast_in_dim3A_65 in 1 : vector<128x7x128xi32>, vector<128x1x128xi32> -> vector<128x8x128xi32>
    %eq3A_360 = vector.broadcast %broadcast_in_dim3A_344 : vector<128x1xi32> to vector<128x128xi32>
    %eq3A_361 = arith.cmpi eq, %iota3A, %eq3A_360 : vector<128x128xi32>
    %broadcast_in_dim3A_362 = vector.shape_cast %eq3A_361 : vector<128x128xi1> to vector<128x1x128xi1>
    %broadcast_in_dim3A_363 = vector.shape_cast %broadcast_in_dim3A_362 : vector<128x1x128xi1> to vector<128x1x128xi1>
    %broadcast_in_dim3A_364 = vector.broadcast %broadcast_in_dim3A_363 : vector<128x1x128xi1> to vector<128x8x128xi1>
    %select_n3A_365 = arith.select %broadcast_in_dim3A_364, %concatenate3A_359, %select_n3A_331 : vector<128x8x128xi1>, vector<128x8x128xi32>
    %slice3A_366 = vector.extract_strided_slice %select_n3A_365 {offsets = [0, 0, 0], sizes = [128, 1, 128], strides = [1, 1, 1]} : vector<128x8x128xi32> to vector<128x1x128xi32>
    %squeeze3A_367 = vector.shape_cast %slice3A_366 : vector<128x1x128xi32> to vector<128x128xi32>
    %reduce_max3A_368 = arith.constant dense<-2147483648> : vector<128xi32>
    %reduce_max3A_369 = vector.multi_reduction <maxsi>, %squeeze3A_367, %reduce_max3A_368 [1] : vector<128x128xi32> to vector<128xi32>
    %broadcast_in_dim3A_370 = vector.shape_cast %reduce_max3A_369 : vector<128xi32> to vector<128x1xi32>
    %eq3A_371 = vector.broadcast %broadcast_in_dim3A_370 : vector<128x1xi32> to vector<128x128xi32>
    %eq3A_372 = arith.cmpi eq, %squeeze3A_367, %eq3A_371 : vector<128x128xi32>
    %jit3A_373 = arith.constant 1048576 : i32
    %broadcast_in_dim3A_374 = vector.broadcast %jit3A_373 : i32 to vector<128x128xi32>
    %select_n3A_375 = arith.select %eq3A_372, %iota3A, %broadcast_in_dim3A_374 : vector<128x128xi1>, vector<128x128xi32>
    %reduce_min3A_376 = arith.constant dense<2147483647> : vector<128xi32>
    %reduce_min3A_377 = vector.multi_reduction <minsi>, %select_n3A_375, %reduce_min3A_376 [1] : vector<128x128xi32> to vector<128xi32>
    %broadcast_in_dim3A_378 = vector.shape_cast %reduce_min3A_377 : vector<128xi32> to vector<128x1xi32>
    %and3A_379 = arith.constant 127 : i32
    %and3A_380 = vector.broadcast %and3A_379 : i32 to vector<128x1xi32>
    %and3A_381 = arith.andi %broadcast_in_dim3A_370, %and3A_380 : vector<128x1xi32>
    %mul3A_382 = arith.constant 128 : i32
    %mul3A_383 = vector.broadcast %mul3A_382 : i32 to vector<128x1xi32>
    %mul3A_384 = arith.muli %and3A_381, %mul3A_383 : vector<128x1xi32>
    %add3A_385 = arith.addi %mul3A_384, %broadcast_in_dim3A_378 : vector<128x1xi32>
    %eq3A_386 = arith.constant 9 : i32
    %eq3A_387 = vector.broadcast %eq3A_386 : i32 to vector<128x128xi32>
    %eq3A_388 = arith.cmpi eq, %iota3A, %eq3A_387 : vector<128x128xi32>
    %broadcast_in_dim3A_389 = vector.shape_cast %add3A_385 : vector<128x1xi32> to vector<128x1xi32>
    %broadcast_in_dim3A_390 = vector.broadcast %broadcast_in_dim3A_389 : vector<128x1xi32> to vector<128x128xi32>
    %select_n3A_391 = arith.select %eq3A_388, %broadcast_in_dim3A_390, %select_n3A_357 : vector<128x128xi1>, vector<128x128xi32>
    %slice3A_392 = vector.extract_strided_slice %select_n3A_365 {offsets = [0, 1, 0], sizes = [128, 7, 128], strides = [1, 1, 1]} : vector<128x8x128xi32> to vector<128x7x128xi32>
    %concatenate3A_393 = tpu.concatenate %slice3A_392, %broadcast_in_dim3A_65 in 1 : vector<128x7x128xi32>, vector<128x1x128xi32> -> vector<128x8x128xi32>
    %eq3A_394 = vector.broadcast %broadcast_in_dim3A_378 : vector<128x1xi32> to vector<128x128xi32>
    %eq3A_395 = arith.cmpi eq, %iota3A, %eq3A_394 : vector<128x128xi32>
    %broadcast_in_dim3A_396 = vector.shape_cast %eq3A_395 : vector<128x128xi1> to vector<128x1x128xi1>
    %broadcast_in_dim3A_397 = vector.shape_cast %broadcast_in_dim3A_396 : vector<128x1x128xi1> to vector<128x1x128xi1>
    %broadcast_in_dim3A_398 = vector.broadcast %broadcast_in_dim3A_397 : vector<128x1x128xi1> to vector<128x8x128xi1>
    %select_n3A_399 = arith.select %broadcast_in_dim3A_398, %concatenate3A_393, %select_n3A_365 : vector<128x8x128xi1>, vector<128x8x128xi32>
    %slice3A_400 = vector.extract_strided_slice %select_n3A_399 {offsets = [0, 0, 0], sizes = [128, 1, 128], strides = [1, 1, 1]} : vector<128x8x128xi32> to vector<128x1x128xi32>
    %squeeze3A_401 = vector.shape_cast %slice3A_400 : vector<128x1x128xi32> to vector<128x128xi32>
    %reduce_max3A_402 = arith.constant dense<-2147483648> : vector<128xi32>
    %reduce_max3A_403 = vector.multi_reduction <maxsi>, %squeeze3A_401, %reduce_max3A_402 [1] : vector<128x128xi32> to vector<128xi32>
    %broadcast_in_dim3A_404 = vector.shape_cast %reduce_max3A_403 : vector<128xi32> to vector<128x1xi32>
    %eq3A_405 = vector.broadcast %broadcast_in_dim3A_404 : vector<128x1xi32> to vector<128x128xi32>
    %eq3A_406 = arith.cmpi eq, %squeeze3A_401, %eq3A_405 : vector<128x128xi32>
    %jit3A_407 = arith.constant 1048576 : i32
    %broadcast_in_dim3A_408 = vector.broadcast %jit3A_407 : i32 to vector<128x128xi32>
    %select_n3A_409 = arith.select %eq3A_406, %iota3A, %broadcast_in_dim3A_408 : vector<128x128xi1>, vector<128x128xi32>
    %reduce_min3A_410 = arith.constant dense<2147483647> : vector<128xi32>
    %reduce_min3A_411 = vector.multi_reduction <minsi>, %select_n3A_409, %reduce_min3A_410 [1] : vector<128x128xi32> to vector<128xi32>
    %broadcast_in_dim3A_412 = vector.shape_cast %reduce_min3A_411 : vector<128xi32> to vector<128x1xi32>
    %and3A_413 = arith.constant 127 : i32
    %and3A_414 = vector.broadcast %and3A_413 : i32 to vector<128x1xi32>
    %and3A_415 = arith.andi %broadcast_in_dim3A_404, %and3A_414 : vector<128x1xi32>
    %mul3A_416 = arith.constant 128 : i32
    %mul3A_417 = vector.broadcast %mul3A_416 : i32 to vector<128x1xi32>
    %mul3A_418 = arith.muli %and3A_415, %mul3A_417 : vector<128x1xi32>
    %add3A_419 = arith.addi %mul3A_418, %broadcast_in_dim3A_412 : vector<128x1xi32>
    %eq3A_420 = arith.constant 10 : i32
    %eq3A_421 = vector.broadcast %eq3A_420 : i32 to vector<128x128xi32>
    %eq3A_422 = arith.cmpi eq, %iota3A, %eq3A_421 : vector<128x128xi32>
    %broadcast_in_dim3A_423 = vector.shape_cast %add3A_419 : vector<128x1xi32> to vector<128x1xi32>
    %broadcast_in_dim3A_424 = vector.broadcast %broadcast_in_dim3A_423 : vector<128x1xi32> to vector<128x128xi32>
    %select_n3A_425 = arith.select %eq3A_422, %broadcast_in_dim3A_424, %select_n3A_391 : vector<128x128xi1>, vector<128x128xi32>
    %slice3A_426 = vector.extract_strided_slice %select_n3A_399 {offsets = [0, 1, 0], sizes = [128, 7, 128], strides = [1, 1, 1]} : vector<128x8x128xi32> to vector<128x7x128xi32>
    %concatenate3A_427 = tpu.concatenate %slice3A_426, %broadcast_in_dim3A_65 in 1 : vector<128x7x128xi32>, vector<128x1x128xi32> -> vector<128x8x128xi32>
    %eq3A_428 = vector.broadcast %broadcast_in_dim3A_412 : vector<128x1xi32> to vector<128x128xi32>
    %eq3A_429 = arith.cmpi eq, %iota3A, %eq3A_428 : vector<128x128xi32>
    %broadcast_in_dim3A_430 = vector.shape_cast %eq3A_429 : vector<128x128xi1> to vector<128x1x128xi1>
    %broadcast_in_dim3A_431 = vector.shape_cast %broadcast_in_dim3A_430 : vector<128x1x128xi1> to vector<128x1x128xi1>
    %broadcast_in_dim3A_432 = vector.broadcast %broadcast_in_dim3A_431 : vector<128x1x128xi1> to vector<128x8x128xi1>
    %select_n3A_433 = arith.select %broadcast_in_dim3A_432, %concatenate3A_427, %select_n3A_399 : vector<128x8x128xi1>, vector<128x8x128xi32>
    %slice3A_434 = vector.extract_strided_slice %select_n3A_433 {offsets = [0, 0, 0], sizes = [128, 1, 128], strides = [1, 1, 1]} : vector<128x8x128xi32> to vector<128x1x128xi32>
    %squeeze3A_435 = vector.shape_cast %slice3A_434 : vector<128x1x128xi32> to vector<128x128xi32>
    %reduce_max3A_436 = arith.constant dense<-2147483648> : vector<128xi32>
    %reduce_max3A_437 = vector.multi_reduction <maxsi>, %squeeze3A_435, %reduce_max3A_436 [1] : vector<128x128xi32> to vector<128xi32>
    %broadcast_in_dim3A_438 = vector.shape_cast %reduce_max3A_437 : vector<128xi32> to vector<128x1xi32>
    %eq3A_439 = vector.broadcast %broadcast_in_dim3A_438 : vector<128x1xi32> to vector<128x128xi32>
    %eq3A_440 = arith.cmpi eq, %squeeze3A_435, %eq3A_439 : vector<128x128xi32>
    %jit3A_441 = arith.constant 1048576 : i32
    %broadcast_in_dim3A_442 = vector.broadcast %jit3A_441 : i32 to vector<128x128xi32>
    %select_n3A_443 = arith.select %eq3A_440, %iota3A, %broadcast_in_dim3A_442 : vector<128x128xi1>, vector<128x128xi32>
    %reduce_min3A_444 = arith.constant dense<2147483647> : vector<128xi32>
    %reduce_min3A_445 = vector.multi_reduction <minsi>, %select_n3A_443, %reduce_min3A_444 [1] : vector<128x128xi32> to vector<128xi32>
    %broadcast_in_dim3A_446 = vector.shape_cast %reduce_min3A_445 : vector<128xi32> to vector<128x1xi32>
    %and3A_447 = arith.constant 127 : i32
    %and3A_448 = vector.broadcast %and3A_447 : i32 to vector<128x1xi32>
    %and3A_449 = arith.andi %broadcast_in_dim3A_438, %and3A_448 : vector<128x1xi32>
    %mul3A_450 = arith.constant 128 : i32
    %mul3A_451 = vector.broadcast %mul3A_450 : i32 to vector<128x1xi32>
    %mul3A_452 = arith.muli %and3A_449, %mul3A_451 : vector<128x1xi32>
    %add3A_453 = arith.addi %mul3A_452, %broadcast_in_dim3A_446 : vector<128x1xi32>
    %eq3A_454 = arith.constant 11 : i32
    %eq3A_455 = vector.broadcast %eq3A_454 : i32 to vector<128x128xi32>
    %eq3A_456 = arith.cmpi eq, %iota3A, %eq3A_455 : vector<128x128xi32>
    %broadcast_in_dim3A_457 = vector.shape_cast %add3A_453 : vector<128x1xi32> to vector<128x1xi32>
    %broadcast_in_dim3A_458 = vector.broadcast %broadcast_in_dim3A_457 : vector<128x1xi32> to vector<128x128xi32>
    %select_n3A_459 = arith.select %eq3A_456, %broadcast_in_dim3A_458, %select_n3A_425 : vector<128x128xi1>, vector<128x128xi32>
    %slice3A_460 = vector.extract_strided_slice %select_n3A_433 {offsets = [0, 1, 0], sizes = [128, 7, 128], strides = [1, 1, 1]} : vector<128x8x128xi32> to vector<128x7x128xi32>
    %concatenate3A_461 = tpu.concatenate %slice3A_460, %broadcast_in_dim3A_65 in 1 : vector<128x7x128xi32>, vector<128x1x128xi32> -> vector<128x8x128xi32>
    %eq3A_462 = vector.broadcast %broadcast_in_dim3A_446 : vector<128x1xi32> to vector<128x128xi32>
    %eq3A_463 = arith.cmpi eq, %iota3A, %eq3A_462 : vector<128x128xi32>
    %broadcast_in_dim3A_464 = vector.shape_cast %eq3A_463 : vector<128x128xi1> to vector<128x1x128xi1>
    %broadcast_in_dim3A_465 = vector.shape_cast %broadcast_in_dim3A_464 : vector<128x1x128xi1> to vector<128x1x128xi1>
    %broadcast_in_dim3A_466 = vector.broadcast %broadcast_in_dim3A_465 : vector<128x1x128xi1> to vector<128x8x128xi1>
    %select_n3A_467 = arith.select %broadcast_in_dim3A_466, %concatenate3A_461, %select_n3A_433 : vector<128x8x128xi1>, vector<128x8x128xi32>
    %slice3A_468 = vector.extract_strided_slice %select_n3A_467 {offsets = [0, 0, 0], sizes = [128, 1, 128], strides = [1, 1, 1]} : vector<128x8x128xi32> to vector<128x1x128xi32>
    %squeeze3A_469 = vector.shape_cast %slice3A_468 : vector<128x1x128xi32> to vector<128x128xi32>
    %reduce_max3A_470 = arith.constant dense<-2147483648> : vector<128xi32>
    %reduce_max3A_471 = vector.multi_reduction <maxsi>, %squeeze3A_469, %reduce_max3A_470 [1] : vector<128x128xi32> to vector<128xi32>
    %broadcast_in_dim3A_472 = vector.shape_cast %reduce_max3A_471 : vector<128xi32> to vector<128x1xi32>
    %eq3A_473 = vector.broadcast %broadcast_in_dim3A_472 : vector<128x1xi32> to vector<128x128xi32>
    %eq3A_474 = arith.cmpi eq, %squeeze3A_469, %eq3A_473 : vector<128x128xi32>
    %jit3A_475 = arith.constant 1048576 : i32
    %broadcast_in_dim3A_476 = vector.broadcast %jit3A_475 : i32 to vector<128x128xi32>
    %select_n3A_477 = arith.select %eq3A_474, %iota3A, %broadcast_in_dim3A_476 : vector<128x128xi1>, vector<128x128xi32>
    %reduce_min3A_478 = arith.constant dense<2147483647> : vector<128xi32>
    %reduce_min3A_479 = vector.multi_reduction <minsi>, %select_n3A_477, %reduce_min3A_478 [1] : vector<128x128xi32> to vector<128xi32>
    %broadcast_in_dim3A_480 = vector.shape_cast %reduce_min3A_479 : vector<128xi32> to vector<128x1xi32>
    %and3A_481 = arith.constant 127 : i32
    %and3A_482 = vector.broadcast %and3A_481 : i32 to vector<128x1xi32>
    %and3A_483 = arith.andi %broadcast_in_dim3A_472, %and3A_482 : vector<128x1xi32>
    %mul3A_484 = arith.constant 128 : i32
    %mul3A_485 = vector.broadcast %mul3A_484 : i32 to vector<128x1xi32>
    %mul3A_486 = arith.muli %and3A_483, %mul3A_485 : vector<128x1xi32>
    %add3A_487 = arith.addi %mul3A_486, %broadcast_in_dim3A_480 : vector<128x1xi32>
    %eq3A_488 = arith.constant 12 : i32
    %eq3A_489 = vector.broadcast %eq3A_488 : i32 to vector<128x128xi32>
    %eq3A_490 = arith.cmpi eq, %iota3A, %eq3A_489 : vector<128x128xi32>
    %broadcast_in_dim3A_491 = vector.shape_cast %add3A_487 : vector<128x1xi32> to vector<128x1xi32>
    %broadcast_in_dim3A_492 = vector.broadcast %broadcast_in_dim3A_491 : vector<128x1xi32> to vector<128x128xi32>
    %select_n3A_493 = arith.select %eq3A_490, %broadcast_in_dim3A_492, %select_n3A_459 : vector<128x128xi1>, vector<128x128xi32>
    %slice3A_494 = vector.extract_strided_slice %select_n3A_467 {offsets = [0, 1, 0], sizes = [128, 7, 128], strides = [1, 1, 1]} : vector<128x8x128xi32> to vector<128x7x128xi32>
    %concatenate3A_495 = tpu.concatenate %slice3A_494, %broadcast_in_dim3A_65 in 1 : vector<128x7x128xi32>, vector<128x1x128xi32> -> vector<128x8x128xi32>
    %eq3A_496 = vector.broadcast %broadcast_in_dim3A_480 : vector<128x1xi32> to vector<128x128xi32>
    %eq3A_497 = arith.cmpi eq, %iota3A, %eq3A_496 : vector<128x128xi32>
    %broadcast_in_dim3A_498 = vector.shape_cast %eq3A_497 : vector<128x128xi1> to vector<128x1x128xi1>
    %broadcast_in_dim3A_499 = vector.shape_cast %broadcast_in_dim3A_498 : vector<128x1x128xi1> to vector<128x1x128xi1>
    %broadcast_in_dim3A_500 = vector.broadcast %broadcast_in_dim3A_499 : vector<128x1x128xi1> to vector<128x8x128xi1>
    %select_n3A_501 = arith.select %broadcast_in_dim3A_500, %concatenate3A_495, %select_n3A_467 : vector<128x8x128xi1>, vector<128x8x128xi32>
    %slice3A_502 = vector.extract_strided_slice %select_n3A_501 {offsets = [0, 0, 0], sizes = [128, 1, 128], strides = [1, 1, 1]} : vector<128x8x128xi32> to vector<128x1x128xi32>
    %squeeze3A_503 = vector.shape_cast %slice3A_502 : vector<128x1x128xi32> to vector<128x128xi32>
    %reduce_max3A_504 = arith.constant dense<-2147483648> : vector<128xi32>
    %reduce_max3A_505 = vector.multi_reduction <maxsi>, %squeeze3A_503, %reduce_max3A_504 [1] : vector<128x128xi32> to vector<128xi32>
    %broadcast_in_dim3A_506 = vector.shape_cast %reduce_max3A_505 : vector<128xi32> to vector<128x1xi32>
    %eq3A_507 = vector.broadcast %broadcast_in_dim3A_506 : vector<128x1xi32> to vector<128x128xi32>
    %eq3A_508 = arith.cmpi eq, %squeeze3A_503, %eq3A_507 : vector<128x128xi32>
    %jit3A_509 = arith.constant 1048576 : i32
    %broadcast_in_dim3A_510 = vector.broadcast %jit3A_509 : i32 to vector<128x128xi32>
    %select_n3A_511 = arith.select %eq3A_508, %iota3A, %broadcast_in_dim3A_510 : vector<128x128xi1>, vector<128x128xi32>
    %reduce_min3A_512 = arith.constant dense<2147483647> : vector<128xi32>
    %reduce_min3A_513 = vector.multi_reduction <minsi>, %select_n3A_511, %reduce_min3A_512 [1] : vector<128x128xi32> to vector<128xi32>
    %broadcast_in_dim3A_514 = vector.shape_cast %reduce_min3A_513 : vector<128xi32> to vector<128x1xi32>
    %and3A_515 = arith.constant 127 : i32
    %and3A_516 = vector.broadcast %and3A_515 : i32 to vector<128x1xi32>
    %and3A_517 = arith.andi %broadcast_in_dim3A_506, %and3A_516 : vector<128x1xi32>
    %mul3A_518 = arith.constant 128 : i32
    %mul3A_519 = vector.broadcast %mul3A_518 : i32 to vector<128x1xi32>
    %mul3A_520 = arith.muli %and3A_517, %mul3A_519 : vector<128x1xi32>
    %add3A_521 = arith.addi %mul3A_520, %broadcast_in_dim3A_514 : vector<128x1xi32>
    %eq3A_522 = arith.constant 13 : i32
    %eq3A_523 = vector.broadcast %eq3A_522 : i32 to vector<128x128xi32>
    %eq3A_524 = arith.cmpi eq, %iota3A, %eq3A_523 : vector<128x128xi32>
    %broadcast_in_dim3A_525 = vector.shape_cast %add3A_521 : vector<128x1xi32> to vector<128x1xi32>
    %broadcast_in_dim3A_526 = vector.broadcast %broadcast_in_dim3A_525 : vector<128x1xi32> to vector<128x128xi32>
    %select_n3A_527 = arith.select %eq3A_524, %broadcast_in_dim3A_526, %select_n3A_493 : vector<128x128xi1>, vector<128x128xi32>
    %slice3A_528 = vector.extract_strided_slice %select_n3A_501 {offsets = [0, 1, 0], sizes = [128, 7, 128], strides = [1, 1, 1]} : vector<128x8x128xi32> to vector<128x7x128xi32>
    %concatenate3A_529 = tpu.concatenate %slice3A_528, %broadcast_in_dim3A_65 in 1 : vector<128x7x128xi32>, vector<128x1x128xi32> -> vector<128x8x128xi32>
    %eq3A_530 = vector.broadcast %broadcast_in_dim3A_514 : vector<128x1xi32> to vector<128x128xi32>
    %eq3A_531 = arith.cmpi eq, %iota3A, %eq3A_530 : vector<128x128xi32>
    %broadcast_in_dim3A_532 = vector.shape_cast %eq3A_531 : vector<128x128xi1> to vector<128x1x128xi1>
    %broadcast_in_dim3A_533 = vector.shape_cast %broadcast_in_dim3A_532 : vector<128x1x128xi1> to vector<128x1x128xi1>
    %broadcast_in_dim3A_534 = vector.broadcast %broadcast_in_dim3A_533 : vector<128x1x128xi1> to vector<128x8x128xi1>
    %select_n3A_535 = arith.select %broadcast_in_dim3A_534, %concatenate3A_529, %select_n3A_501 : vector<128x8x128xi1>, vector<128x8x128xi32>
    %slice3A_536 = vector.extract_strided_slice %select_n3A_535 {offsets = [0, 0, 0], sizes = [128, 1, 128], strides = [1, 1, 1]} : vector<128x8x128xi32> to vector<128x1x128xi32>
    %squeeze3A_537 = vector.shape_cast %slice3A_536 : vector<128x1x128xi32> to vector<128x128xi32>
    %reduce_max3A_538 = arith.constant dense<-2147483648> : vector<128xi32>
    %reduce_max3A_539 = vector.multi_reduction <maxsi>, %squeeze3A_537, %reduce_max3A_538 [1] : vector<128x128xi32> to vector<128xi32>
    %broadcast_in_dim3A_540 = vector.shape_cast %reduce_max3A_539 : vector<128xi32> to vector<128x1xi32>
    %eq3A_541 = vector.broadcast %broadcast_in_dim3A_540 : vector<128x1xi32> to vector<128x128xi32>
    %eq3A_542 = arith.cmpi eq, %squeeze3A_537, %eq3A_541 : vector<128x128xi32>
    %jit3A_543 = arith.constant 1048576 : i32
    %broadcast_in_dim3A_544 = vector.broadcast %jit3A_543 : i32 to vector<128x128xi32>
    %select_n3A_545 = arith.select %eq3A_542, %iota3A, %broadcast_in_dim3A_544 : vector<128x128xi1>, vector<128x128xi32>
    %reduce_min3A_546 = arith.constant dense<2147483647> : vector<128xi32>
    %reduce_min3A_547 = vector.multi_reduction <minsi>, %select_n3A_545, %reduce_min3A_546 [1] : vector<128x128xi32> to vector<128xi32>
    %broadcast_in_dim3A_548 = vector.shape_cast %reduce_min3A_547 : vector<128xi32> to vector<128x1xi32>
    %and3A_549 = arith.constant 127 : i32
    %and3A_550 = vector.broadcast %and3A_549 : i32 to vector<128x1xi32>
    %and3A_551 = arith.andi %broadcast_in_dim3A_540, %and3A_550 : vector<128x1xi32>
    %mul3A_552 = arith.constant 128 : i32
    %mul3A_553 = vector.broadcast %mul3A_552 : i32 to vector<128x1xi32>
    %mul3A_554 = arith.muli %and3A_551, %mul3A_553 : vector<128x1xi32>
    %add3A_555 = arith.addi %mul3A_554, %broadcast_in_dim3A_548 : vector<128x1xi32>
    %eq3A_556 = arith.constant 14 : i32
    %eq3A_557 = vector.broadcast %eq3A_556 : i32 to vector<128x128xi32>
    %eq3A_558 = arith.cmpi eq, %iota3A, %eq3A_557 : vector<128x128xi32>
    %broadcast_in_dim3A_559 = vector.shape_cast %add3A_555 : vector<128x1xi32> to vector<128x1xi32>
    %broadcast_in_dim3A_560 = vector.broadcast %broadcast_in_dim3A_559 : vector<128x1xi32> to vector<128x128xi32>
    %select_n3A_561 = arith.select %eq3A_558, %broadcast_in_dim3A_560, %select_n3A_527 : vector<128x128xi1>, vector<128x128xi32>
    %slice3A_562 = vector.extract_strided_slice %select_n3A_535 {offsets = [0, 1, 0], sizes = [128, 7, 128], strides = [1, 1, 1]} : vector<128x8x128xi32> to vector<128x7x128xi32>
    %concatenate3A_563 = tpu.concatenate %slice3A_562, %broadcast_in_dim3A_65 in 1 : vector<128x7x128xi32>, vector<128x1x128xi32> -> vector<128x8x128xi32>
    %eq3A_564 = vector.broadcast %broadcast_in_dim3A_548 : vector<128x1xi32> to vector<128x128xi32>
    %eq3A_565 = arith.cmpi eq, %iota3A, %eq3A_564 : vector<128x128xi32>
    %broadcast_in_dim3A_566 = vector.shape_cast %eq3A_565 : vector<128x128xi1> to vector<128x1x128xi1>
    %broadcast_in_dim3A_567 = vector.shape_cast %broadcast_in_dim3A_566 : vector<128x1x128xi1> to vector<128x1x128xi1>
    %broadcast_in_dim3A_568 = vector.broadcast %broadcast_in_dim3A_567 : vector<128x1x128xi1> to vector<128x8x128xi1>
    %select_n3A_569 = arith.select %broadcast_in_dim3A_568, %concatenate3A_563, %select_n3A_535 : vector<128x8x128xi1>, vector<128x8x128xi32>
    %slice3A_570 = vector.extract_strided_slice %select_n3A_569 {offsets = [0, 0, 0], sizes = [128, 1, 128], strides = [1, 1, 1]} : vector<128x8x128xi32> to vector<128x1x128xi32>
    %squeeze3A_571 = vector.shape_cast %slice3A_570 : vector<128x1x128xi32> to vector<128x128xi32>
    %reduce_max3A_572 = arith.constant dense<-2147483648> : vector<128xi32>
    %reduce_max3A_573 = vector.multi_reduction <maxsi>, %squeeze3A_571, %reduce_max3A_572 [1] : vector<128x128xi32> to vector<128xi32>
    %broadcast_in_dim3A_574 = vector.shape_cast %reduce_max3A_573 : vector<128xi32> to vector<128x1xi32>
    %eq3A_575 = vector.broadcast %broadcast_in_dim3A_574 : vector<128x1xi32> to vector<128x128xi32>
    %eq3A_576 = arith.cmpi eq, %squeeze3A_571, %eq3A_575 : vector<128x128xi32>
    %jit3A_577 = arith.constant 1048576 : i32
    %broadcast_in_dim3A_578 = vector.broadcast %jit3A_577 : i32 to vector<128x128xi32>
    %select_n3A_579 = arith.select %eq3A_576, %iota3A, %broadcast_in_dim3A_578 : vector<128x128xi1>, vector<128x128xi32>
    %reduce_min3A_580 = arith.constant dense<2147483647> : vector<128xi32>
    %reduce_min3A_581 = vector.multi_reduction <minsi>, %select_n3A_579, %reduce_min3A_580 [1] : vector<128x128xi32> to vector<128xi32>
    %broadcast_in_dim3A_582 = vector.shape_cast %reduce_min3A_581 : vector<128xi32> to vector<128x1xi32>
    %and3A_583 = arith.constant 127 : i32
    %and3A_584 = vector.broadcast %and3A_583 : i32 to vector<128x1xi32>
    %and3A_585 = arith.andi %broadcast_in_dim3A_574, %and3A_584 : vector<128x1xi32>
    %mul3A_586 = arith.constant 128 : i32
    %mul3A_587 = vector.broadcast %mul3A_586 : i32 to vector<128x1xi32>
    %mul3A_588 = arith.muli %and3A_585, %mul3A_587 : vector<128x1xi32>
    %add3A_589 = arith.addi %mul3A_588, %broadcast_in_dim3A_582 : vector<128x1xi32>
    %eq3A_590 = arith.constant 15 : i32
    %eq3A_591 = vector.broadcast %eq3A_590 : i32 to vector<128x128xi32>
    %eq3A_592 = arith.cmpi eq, %iota3A, %eq3A_591 : vector<128x128xi32>
    %broadcast_in_dim3A_593 = vector.shape_cast %add3A_589 : vector<128x1xi32> to vector<128x1xi32>
    %broadcast_in_dim3A_594 = vector.broadcast %broadcast_in_dim3A_593 : vector<128x1xi32> to vector<128x128xi32>
    %select_n3A_595 = arith.select %eq3A_592, %broadcast_in_dim3A_594, %select_n3A_561 : vector<128x128xi1>, vector<128x128xi32>
    %slice3A_596 = vector.extract_strided_slice %select_n3A_569 {offsets = [0, 1, 0], sizes = [128, 7, 128], strides = [1, 1, 1]} : vector<128x8x128xi32> to vector<128x7x128xi32>
    %concatenate3A_597 = tpu.concatenate %slice3A_596, %broadcast_in_dim3A_65 in 1 : vector<128x7x128xi32>, vector<128x1x128xi32> -> vector<128x8x128xi32>
    %eq3A_598 = vector.broadcast %broadcast_in_dim3A_582 : vector<128x1xi32> to vector<128x128xi32>
    %eq3A_599 = arith.cmpi eq, %iota3A, %eq3A_598 : vector<128x128xi32>
    %broadcast_in_dim3A_600 = vector.shape_cast %eq3A_599 : vector<128x128xi1> to vector<128x1x128xi1>
    %broadcast_in_dim3A_601 = vector.shape_cast %broadcast_in_dim3A_600 : vector<128x1x128xi1> to vector<128x1x128xi1>
    %broadcast_in_dim3A_602 = vector.broadcast %broadcast_in_dim3A_601 : vector<128x1x128xi1> to vector<128x8x128xi1>
    %select_n3A_603 = arith.select %broadcast_in_dim3A_602, %concatenate3A_597, %select_n3A_569 : vector<128x8x128xi1>, vector<128x8x128xi32>
    %slice3A_604 = vector.extract_strided_slice %select_n3A_603 {offsets = [0, 0, 0], sizes = [128, 1, 128], strides = [1, 1, 1]} : vector<128x8x128xi32> to vector<128x1x128xi32>
    %squeeze3A_605 = vector.shape_cast %slice3A_604 : vector<128x1x128xi32> to vector<128x128xi32>
    %reduce_max3A_606 = arith.constant dense<-2147483648> : vector<128xi32>
    %reduce_max3A_607 = vector.multi_reduction <maxsi>, %squeeze3A_605, %reduce_max3A_606 [1] : vector<128x128xi32> to vector<128xi32>
    %broadcast_in_dim3A_608 = vector.shape_cast %reduce_max3A_607 : vector<128xi32> to vector<128x1xi32>
    %eq3A_609 = vector.broadcast %broadcast_in_dim3A_608 : vector<128x1xi32> to vector<128x128xi32>
    %eq3A_610 = arith.cmpi eq, %squeeze3A_605, %eq3A_609 : vector<128x128xi32>
    %jit3A_611 = arith.constant 1048576 : i32
    %broadcast_in_dim3A_612 = vector.broadcast %jit3A_611 : i32 to vector<128x128xi32>
    %select_n3A_613 = arith.select %eq3A_610, %iota3A, %broadcast_in_dim3A_612 : vector<128x128xi1>, vector<128x128xi32>
    %reduce_min3A_614 = arith.constant dense<2147483647> : vector<128xi32>
    %reduce_min3A_615 = vector.multi_reduction <minsi>, %select_n3A_613, %reduce_min3A_614 [1] : vector<128x128xi32> to vector<128xi32>
    %broadcast_in_dim3A_616 = vector.shape_cast %reduce_min3A_615 : vector<128xi32> to vector<128x1xi32>
    %and3A_617 = arith.constant 127 : i32
    %and3A_618 = vector.broadcast %and3A_617 : i32 to vector<128x1xi32>
    %and3A_619 = arith.andi %broadcast_in_dim3A_608, %and3A_618 : vector<128x1xi32>
    %mul3A_620 = arith.constant 128 : i32
    %mul3A_621 = vector.broadcast %mul3A_620 : i32 to vector<128x1xi32>
    %mul3A_622 = arith.muli %and3A_619, %mul3A_621 : vector<128x1xi32>
    %add3A_623 = arith.addi %mul3A_622, %broadcast_in_dim3A_616 : vector<128x1xi32>
    %eq3A_624 = arith.constant 16 : i32
    %eq3A_625 = vector.broadcast %eq3A_624 : i32 to vector<128x128xi32>
    %eq3A_626 = arith.cmpi eq, %iota3A, %eq3A_625 : vector<128x128xi32>
    %broadcast_in_dim3A_627 = vector.shape_cast %add3A_623 : vector<128x1xi32> to vector<128x1xi32>
    %broadcast_in_dim3A_628 = vector.broadcast %broadcast_in_dim3A_627 : vector<128x1xi32> to vector<128x128xi32>
    %select_n3A_629 = arith.select %eq3A_626, %broadcast_in_dim3A_628, %select_n3A_595 : vector<128x128xi1>, vector<128x128xi32>
    %slice3A_630 = vector.extract_strided_slice %select_n3A_603 {offsets = [0, 1, 0], sizes = [128, 7, 128], strides = [1, 1, 1]} : vector<128x8x128xi32> to vector<128x7x128xi32>
    %concatenate3A_631 = tpu.concatenate %slice3A_630, %broadcast_in_dim3A_65 in 1 : vector<128x7x128xi32>, vector<128x1x128xi32> -> vector<128x8x128xi32>
    %eq3A_632 = vector.broadcast %broadcast_in_dim3A_616 : vector<128x1xi32> to vector<128x128xi32>
    %eq3A_633 = arith.cmpi eq, %iota3A, %eq3A_632 : vector<128x128xi32>
    %broadcast_in_dim3A_634 = vector.shape_cast %eq3A_633 : vector<128x128xi1> to vector<128x1x128xi1>
    %broadcast_in_dim3A_635 = vector.shape_cast %broadcast_in_dim3A_634 : vector<128x1x128xi1> to vector<128x1x128xi1>
    %broadcast_in_dim3A_636 = vector.broadcast %broadcast_in_dim3A_635 : vector<128x1x128xi1> to vector<128x8x128xi1>
    %select_n3A_637 = arith.select %broadcast_in_dim3A_636, %concatenate3A_631, %select_n3A_603 : vector<128x8x128xi1>, vector<128x8x128xi32>
    %slice3A_638 = vector.extract_strided_slice %select_n3A_637 {offsets = [0, 0, 0], sizes = [128, 1, 128], strides = [1, 1, 1]} : vector<128x8x128xi32> to vector<128x1x128xi32>
    %squeeze3A_639 = vector.shape_cast %slice3A_638 : vector<128x1x128xi32> to vector<128x128xi32>
    %reduce_max3A_640 = arith.constant dense<-2147483648> : vector<128xi32>
    %reduce_max3A_641 = vector.multi_reduction <maxsi>, %squeeze3A_639, %reduce_max3A_640 [1] : vector<128x128xi32> to vector<128xi32>
    %broadcast_in_dim3A_642 = vector.shape_cast %reduce_max3A_641 : vector<128xi32> to vector<128x1xi32>
    %eq3A_643 = vector.broadcast %broadcast_in_dim3A_642 : vector<128x1xi32> to vector<128x128xi32>
    %eq3A_644 = arith.cmpi eq, %squeeze3A_639, %eq3A_643 : vector<128x128xi32>
    %jit3A_645 = arith.constant 1048576 : i32
    %broadcast_in_dim3A_646 = vector.broadcast %jit3A_645 : i32 to vector<128x128xi32>
    %select_n3A_647 = arith.select %eq3A_644, %iota3A, %broadcast_in_dim3A_646 : vector<128x128xi1>, vector<128x128xi32>
    %reduce_min3A_648 = arith.constant dense<2147483647> : vector<128xi32>
    %reduce_min3A_649 = vector.multi_reduction <minsi>, %select_n3A_647, %reduce_min3A_648 [1] : vector<128x128xi32> to vector<128xi32>
    %broadcast_in_dim3A_650 = vector.shape_cast %reduce_min3A_649 : vector<128xi32> to vector<128x1xi32>
    %and3A_651 = arith.constant 127 : i32
    %and3A_652 = vector.broadcast %and3A_651 : i32 to vector<128x1xi32>
    %and3A_653 = arith.andi %broadcast_in_dim3A_642, %and3A_652 : vector<128x1xi32>
    %mul3A_654 = arith.constant 128 : i32
    %mul3A_655 = vector.broadcast %mul3A_654 : i32 to vector<128x1xi32>
    %mul3A_656 = arith.muli %and3A_653, %mul3A_655 : vector<128x1xi32>
    %add3A_657 = arith.addi %mul3A_656, %broadcast_in_dim3A_650 : vector<128x1xi32>
    %eq3A_658 = arith.constant 17 : i32
    %eq3A_659 = vector.broadcast %eq3A_658 : i32 to vector<128x128xi32>
    %eq3A_660 = arith.cmpi eq, %iota3A, %eq3A_659 : vector<128x128xi32>
    %broadcast_in_dim3A_661 = vector.shape_cast %add3A_657 : vector<128x1xi32> to vector<128x1xi32>
    %broadcast_in_dim3A_662 = vector.broadcast %broadcast_in_dim3A_661 : vector<128x1xi32> to vector<128x128xi32>
    %select_n3A_663 = arith.select %eq3A_660, %broadcast_in_dim3A_662, %select_n3A_629 : vector<128x128xi1>, vector<128x128xi32>
    %slice3A_664 = vector.extract_strided_slice %select_n3A_637 {offsets = [0, 1, 0], sizes = [128, 7, 128], strides = [1, 1, 1]} : vector<128x8x128xi32> to vector<128x7x128xi32>
    %concatenate3A_665 = tpu.concatenate %slice3A_664, %broadcast_in_dim3A_65 in 1 : vector<128x7x128xi32>, vector<128x1x128xi32> -> vector<128x8x128xi32>
    %eq3A_666 = vector.broadcast %broadcast_in_dim3A_650 : vector<128x1xi32> to vector<128x128xi32>
    %eq3A_667 = arith.cmpi eq, %iota3A, %eq3A_666 : vector<128x128xi32>
    %broadcast_in_dim3A_668 = vector.shape_cast %eq3A_667 : vector<128x128xi1> to vector<128x1x128xi1>
    %broadcast_in_dim3A_669 = vector.shape_cast %broadcast_in_dim3A_668 : vector<128x1x128xi1> to vector<128x1x128xi1>
    %broadcast_in_dim3A_670 = vector.broadcast %broadcast_in_dim3A_669 : vector<128x1x128xi1> to vector<128x8x128xi1>
    %select_n3A_671 = arith.select %broadcast_in_dim3A_670, %concatenate3A_665, %select_n3A_637 : vector<128x8x128xi1>, vector<128x8x128xi32>
    %slice3A_672 = vector.extract_strided_slice %select_n3A_671 {offsets = [0, 0, 0], sizes = [128, 1, 128], strides = [1, 1, 1]} : vector<128x8x128xi32> to vector<128x1x128xi32>
    %squeeze3A_673 = vector.shape_cast %slice3A_672 : vector<128x1x128xi32> to vector<128x128xi32>
    %reduce_max3A_674 = arith.constant dense<-2147483648> : vector<128xi32>
    %reduce_max3A_675 = vector.multi_reduction <maxsi>, %squeeze3A_673, %reduce_max3A_674 [1] : vector<128x128xi32> to vector<128xi32>
    %broadcast_in_dim3A_676 = vector.shape_cast %reduce_max3A_675 : vector<128xi32> to vector<128x1xi32>
    %eq3A_677 = vector.broadcast %broadcast_in_dim3A_676 : vector<128x1xi32> to vector<128x128xi32>
    %eq3A_678 = arith.cmpi eq, %squeeze3A_673, %eq3A_677 : vector<128x128xi32>
    %jit3A_679 = arith.constant 1048576 : i32
    %broadcast_in_dim3A_680 = vector.broadcast %jit3A_679 : i32 to vector<128x128xi32>
    %select_n3A_681 = arith.select %eq3A_678, %iota3A, %broadcast_in_dim3A_680 : vector<128x128xi1>, vector<128x128xi32>
    %reduce_min3A_682 = arith.constant dense<2147483647> : vector<128xi32>
    %reduce_min3A_683 = vector.multi_reduction <minsi>, %select_n3A_681, %reduce_min3A_682 [1] : vector<128x128xi32> to vector<128xi32>
    %broadcast_in_dim3A_684 = vector.shape_cast %reduce_min3A_683 : vector<128xi32> to vector<128x1xi32>
    %and3A_685 = arith.constant 127 : i32
    %and3A_686 = vector.broadcast %and3A_685 : i32 to vector<128x1xi32>
    %and3A_687 = arith.andi %broadcast_in_dim3A_676, %and3A_686 : vector<128x1xi32>
    %mul3A_688 = arith.constant 128 : i32
    %mul3A_689 = vector.broadcast %mul3A_688 : i32 to vector<128x1xi32>
    %mul3A_690 = arith.muli %and3A_687, %mul3A_689 : vector<128x1xi32>
    %add3A_691 = arith.addi %mul3A_690, %broadcast_in_dim3A_684 : vector<128x1xi32>
    %eq3A_692 = arith.constant 18 : i32
    %eq3A_693 = vector.broadcast %eq3A_692 : i32 to vector<128x128xi32>
    %eq3A_694 = arith.cmpi eq, %iota3A, %eq3A_693 : vector<128x128xi32>
    %broadcast_in_dim3A_695 = vector.shape_cast %add3A_691 : vector<128x1xi32> to vector<128x1xi32>
    %broadcast_in_dim3A_696 = vector.broadcast %broadcast_in_dim3A_695 : vector<128x1xi32> to vector<128x128xi32>
    %select_n3A_697 = arith.select %eq3A_694, %broadcast_in_dim3A_696, %select_n3A_663 : vector<128x128xi1>, vector<128x128xi32>
    %slice3A_698 = vector.extract_strided_slice %select_n3A_671 {offsets = [0, 1, 0], sizes = [128, 7, 128], strides = [1, 1, 1]} : vector<128x8x128xi32> to vector<128x7x128xi32>
    %concatenate3A_699 = tpu.concatenate %slice3A_698, %broadcast_in_dim3A_65 in 1 : vector<128x7x128xi32>, vector<128x1x128xi32> -> vector<128x8x128xi32>
    %eq3A_700 = vector.broadcast %broadcast_in_dim3A_684 : vector<128x1xi32> to vector<128x128xi32>
    %eq3A_701 = arith.cmpi eq, %iota3A, %eq3A_700 : vector<128x128xi32>
    %broadcast_in_dim3A_702 = vector.shape_cast %eq3A_701 : vector<128x128xi1> to vector<128x1x128xi1>
    %broadcast_in_dim3A_703 = vector.shape_cast %broadcast_in_dim3A_702 : vector<128x1x128xi1> to vector<128x1x128xi1>
    %broadcast_in_dim3A_704 = vector.broadcast %broadcast_in_dim3A_703 : vector<128x1x128xi1> to vector<128x8x128xi1>
    %select_n3A_705 = arith.select %broadcast_in_dim3A_704, %concatenate3A_699, %select_n3A_671 : vector<128x8x128xi1>, vector<128x8x128xi32>
    %slice3A_706 = vector.extract_strided_slice %select_n3A_705 {offsets = [0, 0, 0], sizes = [128, 1, 128], strides = [1, 1, 1]} : vector<128x8x128xi32> to vector<128x1x128xi32>
    %squeeze3A_707 = vector.shape_cast %slice3A_706 : vector<128x1x128xi32> to vector<128x128xi32>
    %reduce_max3A_708 = arith.constant dense<-2147483648> : vector<128xi32>
    %reduce_max3A_709 = vector.multi_reduction <maxsi>, %squeeze3A_707, %reduce_max3A_708 [1] : vector<128x128xi32> to vector<128xi32>
    %broadcast_in_dim3A_710 = vector.shape_cast %reduce_max3A_709 : vector<128xi32> to vector<128x1xi32>
    %eq3A_711 = vector.broadcast %broadcast_in_dim3A_710 : vector<128x1xi32> to vector<128x128xi32>
    %eq3A_712 = arith.cmpi eq, %squeeze3A_707, %eq3A_711 : vector<128x128xi32>
    %jit3A_713 = arith.constant 1048576 : i32
    %broadcast_in_dim3A_714 = vector.broadcast %jit3A_713 : i32 to vector<128x128xi32>
    %select_n3A_715 = arith.select %eq3A_712, %iota3A, %broadcast_in_dim3A_714 : vector<128x128xi1>, vector<128x128xi32>
    %reduce_min3A_716 = arith.constant dense<2147483647> : vector<128xi32>
    %reduce_min3A_717 = vector.multi_reduction <minsi>, %select_n3A_715, %reduce_min3A_716 [1] : vector<128x128xi32> to vector<128xi32>
    %broadcast_in_dim3A_718 = vector.shape_cast %reduce_min3A_717 : vector<128xi32> to vector<128x1xi32>
    %and3A_719 = arith.constant 127 : i32
    %and3A_720 = vector.broadcast %and3A_719 : i32 to vector<128x1xi32>
    %and3A_721 = arith.andi %broadcast_in_dim3A_710, %and3A_720 : vector<128x1xi32>
    %mul3A_722 = arith.constant 128 : i32
    %mul3A_723 = vector.broadcast %mul3A_722 : i32 to vector<128x1xi32>
    %mul3A_724 = arith.muli %and3A_721, %mul3A_723 : vector<128x1xi32>
    %add3A_725 = arith.addi %mul3A_724, %broadcast_in_dim3A_718 : vector<128x1xi32>
    %eq3A_726 = arith.constant 19 : i32
    %eq3A_727 = vector.broadcast %eq3A_726 : i32 to vector<128x128xi32>
    %eq3A_728 = arith.cmpi eq, %iota3A, %eq3A_727 : vector<128x128xi32>
    %broadcast_in_dim3A_729 = vector.shape_cast %add3A_725 : vector<128x1xi32> to vector<128x1xi32>
    %broadcast_in_dim3A_730 = vector.broadcast %broadcast_in_dim3A_729 : vector<128x1xi32> to vector<128x128xi32>
    %select_n3A_731 = arith.select %eq3A_728, %broadcast_in_dim3A_730, %select_n3A_697 : vector<128x128xi1>, vector<128x128xi32>
    %slice3A_732 = vector.extract_strided_slice %select_n3A_705 {offsets = [0, 1, 0], sizes = [128, 7, 128], strides = [1, 1, 1]} : vector<128x8x128xi32> to vector<128x7x128xi32>
    %concatenate3A_733 = tpu.concatenate %slice3A_732, %broadcast_in_dim3A_65 in 1 : vector<128x7x128xi32>, vector<128x1x128xi32> -> vector<128x8x128xi32>
    %eq3A_734 = vector.broadcast %broadcast_in_dim3A_718 : vector<128x1xi32> to vector<128x128xi32>
    %eq3A_735 = arith.cmpi eq, %iota3A, %eq3A_734 : vector<128x128xi32>
    %broadcast_in_dim3A_736 = vector.shape_cast %eq3A_735 : vector<128x128xi1> to vector<128x1x128xi1>
    %broadcast_in_dim3A_737 = vector.shape_cast %broadcast_in_dim3A_736 : vector<128x1x128xi1> to vector<128x1x128xi1>
    %broadcast_in_dim3A_738 = vector.broadcast %broadcast_in_dim3A_737 : vector<128x1x128xi1> to vector<128x8x128xi1>
    %select_n3A_739 = arith.select %broadcast_in_dim3A_738, %concatenate3A_733, %select_n3A_705 : vector<128x8x128xi1>, vector<128x8x128xi32>
    %slice3A_740 = vector.extract_strided_slice %select_n3A_739 {offsets = [0, 0, 0], sizes = [128, 1, 128], strides = [1, 1, 1]} : vector<128x8x128xi32> to vector<128x1x128xi32>
    %squeeze3A_741 = vector.shape_cast %slice3A_740 : vector<128x1x128xi32> to vector<128x128xi32>
    %reduce_max3A_742 = arith.constant dense<-2147483648> : vector<128xi32>
    %reduce_max3A_743 = vector.multi_reduction <maxsi>, %squeeze3A_741, %reduce_max3A_742 [1] : vector<128x128xi32> to vector<128xi32>
    %broadcast_in_dim3A_744 = vector.shape_cast %reduce_max3A_743 : vector<128xi32> to vector<128x1xi32>
    %eq3A_745 = vector.broadcast %broadcast_in_dim3A_744 : vector<128x1xi32> to vector<128x128xi32>
    %eq3A_746 = arith.cmpi eq, %squeeze3A_741, %eq3A_745 : vector<128x128xi32>
    %jit3A_747 = arith.constant 1048576 : i32
    %broadcast_in_dim3A_748 = vector.broadcast %jit3A_747 : i32 to vector<128x128xi32>
    %select_n3A_749 = arith.select %eq3A_746, %iota3A, %broadcast_in_dim3A_748 : vector<128x128xi1>, vector<128x128xi32>
    %reduce_min3A_750 = arith.constant dense<2147483647> : vector<128xi32>
    %reduce_min3A_751 = vector.multi_reduction <minsi>, %select_n3A_749, %reduce_min3A_750 [1] : vector<128x128xi32> to vector<128xi32>
    %broadcast_in_dim3A_752 = vector.shape_cast %reduce_min3A_751 : vector<128xi32> to vector<128x1xi32>
    %and3A_753 = arith.constant 127 : i32
    %and3A_754 = vector.broadcast %and3A_753 : i32 to vector<128x1xi32>
    %and3A_755 = arith.andi %broadcast_in_dim3A_744, %and3A_754 : vector<128x1xi32>
    %mul3A_756 = arith.constant 128 : i32
    %mul3A_757 = vector.broadcast %mul3A_756 : i32 to vector<128x1xi32>
    %mul3A_758 = arith.muli %and3A_755, %mul3A_757 : vector<128x1xi32>
    %add3A_759 = arith.addi %mul3A_758, %broadcast_in_dim3A_752 : vector<128x1xi32>
    %eq3A_760 = arith.constant 20 : i32
    %eq3A_761 = vector.broadcast %eq3A_760 : i32 to vector<128x128xi32>
    %eq3A_762 = arith.cmpi eq, %iota3A, %eq3A_761 : vector<128x128xi32>
    %broadcast_in_dim3A_763 = vector.shape_cast %add3A_759 : vector<128x1xi32> to vector<128x1xi32>
    %broadcast_in_dim3A_764 = vector.broadcast %broadcast_in_dim3A_763 : vector<128x1xi32> to vector<128x128xi32>
    %select_n3A_765 = arith.select %eq3A_762, %broadcast_in_dim3A_764, %select_n3A_731 : vector<128x128xi1>, vector<128x128xi32>
    %slice3A_766 = vector.extract_strided_slice %select_n3A_739 {offsets = [0, 1, 0], sizes = [128, 7, 128], strides = [1, 1, 1]} : vector<128x8x128xi32> to vector<128x7x128xi32>
    %concatenate3A_767 = tpu.concatenate %slice3A_766, %broadcast_in_dim3A_65 in 1 : vector<128x7x128xi32>, vector<128x1x128xi32> -> vector<128x8x128xi32>
    %eq3A_768 = vector.broadcast %broadcast_in_dim3A_752 : vector<128x1xi32> to vector<128x128xi32>
    %eq3A_769 = arith.cmpi eq, %iota3A, %eq3A_768 : vector<128x128xi32>
    %broadcast_in_dim3A_770 = vector.shape_cast %eq3A_769 : vector<128x128xi1> to vector<128x1x128xi1>
    %broadcast_in_dim3A_771 = vector.shape_cast %broadcast_in_dim3A_770 : vector<128x1x128xi1> to vector<128x1x128xi1>
    %broadcast_in_dim3A_772 = vector.broadcast %broadcast_in_dim3A_771 : vector<128x1x128xi1> to vector<128x8x128xi1>
    %select_n3A_773 = arith.select %broadcast_in_dim3A_772, %concatenate3A_767, %select_n3A_739 : vector<128x8x128xi1>, vector<128x8x128xi32>
    %slice3A_774 = vector.extract_strided_slice %select_n3A_773 {offsets = [0, 0, 0], sizes = [128, 1, 128], strides = [1, 1, 1]} : vector<128x8x128xi32> to vector<128x1x128xi32>
    %squeeze3A_775 = vector.shape_cast %slice3A_774 : vector<128x1x128xi32> to vector<128x128xi32>
    %reduce_max3A_776 = arith.constant dense<-2147483648> : vector<128xi32>
    %reduce_max3A_777 = vector.multi_reduction <maxsi>, %squeeze3A_775, %reduce_max3A_776 [1] : vector<128x128xi32> to vector<128xi32>
    %broadcast_in_dim3A_778 = vector.shape_cast %reduce_max3A_777 : vector<128xi32> to vector<128x1xi32>
    %eq3A_779 = vector.broadcast %broadcast_in_dim3A_778 : vector<128x1xi32> to vector<128x128xi32>
    %eq3A_780 = arith.cmpi eq, %squeeze3A_775, %eq3A_779 : vector<128x128xi32>
    %jit3A_781 = arith.constant 1048576 : i32
    %broadcast_in_dim3A_782 = vector.broadcast %jit3A_781 : i32 to vector<128x128xi32>
    %select_n3A_783 = arith.select %eq3A_780, %iota3A, %broadcast_in_dim3A_782 : vector<128x128xi1>, vector<128x128xi32>
    %reduce_min3A_784 = arith.constant dense<2147483647> : vector<128xi32>
    %reduce_min3A_785 = vector.multi_reduction <minsi>, %select_n3A_783, %reduce_min3A_784 [1] : vector<128x128xi32> to vector<128xi32>
    %broadcast_in_dim3A_786 = vector.shape_cast %reduce_min3A_785 : vector<128xi32> to vector<128x1xi32>
    %and3A_787 = arith.constant 127 : i32
    %and3A_788 = vector.broadcast %and3A_787 : i32 to vector<128x1xi32>
    %and3A_789 = arith.andi %broadcast_in_dim3A_778, %and3A_788 : vector<128x1xi32>
    %mul3A_790 = arith.constant 128 : i32
    %mul3A_791 = vector.broadcast %mul3A_790 : i32 to vector<128x1xi32>
    %mul3A_792 = arith.muli %and3A_789, %mul3A_791 : vector<128x1xi32>
    %add3A_793 = arith.addi %mul3A_792, %broadcast_in_dim3A_786 : vector<128x1xi32>
    %eq3A_794 = arith.constant 21 : i32
    %eq3A_795 = vector.broadcast %eq3A_794 : i32 to vector<128x128xi32>
    %eq3A_796 = arith.cmpi eq, %iota3A, %eq3A_795 : vector<128x128xi32>
    %broadcast_in_dim3A_797 = vector.shape_cast %add3A_793 : vector<128x1xi32> to vector<128x1xi32>
    %broadcast_in_dim3A_798 = vector.broadcast %broadcast_in_dim3A_797 : vector<128x1xi32> to vector<128x128xi32>
    %select_n3A_799 = arith.select %eq3A_796, %broadcast_in_dim3A_798, %select_n3A_765 : vector<128x128xi1>, vector<128x128xi32>
    %slice3A_800 = vector.extract_strided_slice %select_n3A_773 {offsets = [0, 1, 0], sizes = [128, 7, 128], strides = [1, 1, 1]} : vector<128x8x128xi32> to vector<128x7x128xi32>
    %concatenate3A_801 = tpu.concatenate %slice3A_800, %broadcast_in_dim3A_65 in 1 : vector<128x7x128xi32>, vector<128x1x128xi32> -> vector<128x8x128xi32>
    %eq3A_802 = vector.broadcast %broadcast_in_dim3A_786 : vector<128x1xi32> to vector<128x128xi32>
    %eq3A_803 = arith.cmpi eq, %iota3A, %eq3A_802 : vector<128x128xi32>
    %broadcast_in_dim3A_804 = vector.shape_cast %eq3A_803 : vector<128x128xi1> to vector<128x1x128xi1>
    %broadcast_in_dim3A_805 = vector.shape_cast %broadcast_in_dim3A_804 : vector<128x1x128xi1> to vector<128x1x128xi1>
    %broadcast_in_dim3A_806 = vector.broadcast %broadcast_in_dim3A_805 : vector<128x1x128xi1> to vector<128x8x128xi1>
    %select_n3A_807 = arith.select %broadcast_in_dim3A_806, %concatenate3A_801, %select_n3A_773 : vector<128x8x128xi1>, vector<128x8x128xi32>
    %slice3A_808 = vector.extract_strided_slice %select_n3A_807 {offsets = [0, 0, 0], sizes = [128, 1, 128], strides = [1, 1, 1]} : vector<128x8x128xi32> to vector<128x1x128xi32>
    %squeeze3A_809 = vector.shape_cast %slice3A_808 : vector<128x1x128xi32> to vector<128x128xi32>
    %reduce_max3A_810 = arith.constant dense<-2147483648> : vector<128xi32>
    %reduce_max3A_811 = vector.multi_reduction <maxsi>, %squeeze3A_809, %reduce_max3A_810 [1] : vector<128x128xi32> to vector<128xi32>
    %broadcast_in_dim3A_812 = vector.shape_cast %reduce_max3A_811 : vector<128xi32> to vector<128x1xi32>
    %eq3A_813 = vector.broadcast %broadcast_in_dim3A_812 : vector<128x1xi32> to vector<128x128xi32>
    %eq3A_814 = arith.cmpi eq, %squeeze3A_809, %eq3A_813 : vector<128x128xi32>
    %jit3A_815 = arith.constant 1048576 : i32
    %broadcast_in_dim3A_816 = vector.broadcast %jit3A_815 : i32 to vector<128x128xi32>
    %select_n3A_817 = arith.select %eq3A_814, %iota3A, %broadcast_in_dim3A_816 : vector<128x128xi1>, vector<128x128xi32>
    %reduce_min3A_818 = arith.constant dense<2147483647> : vector<128xi32>
    %reduce_min3A_819 = vector.multi_reduction <minsi>, %select_n3A_817, %reduce_min3A_818 [1] : vector<128x128xi32> to vector<128xi32>
    %broadcast_in_dim3A_820 = vector.shape_cast %reduce_min3A_819 : vector<128xi32> to vector<128x1xi32>
    %and3A_821 = arith.constant 127 : i32
    %and3A_822 = vector.broadcast %and3A_821 : i32 to vector<128x1xi32>
    %and3A_823 = arith.andi %broadcast_in_dim3A_812, %and3A_822 : vector<128x1xi32>
    %mul3A_824 = arith.constant 128 : i32
    %mul3A_825 = vector.broadcast %mul3A_824 : i32 to vector<128x1xi32>
    %mul3A_826 = arith.muli %and3A_823, %mul3A_825 : vector<128x1xi32>
    %add3A_827 = arith.addi %mul3A_826, %broadcast_in_dim3A_820 : vector<128x1xi32>
    %eq3A_828 = arith.constant 22 : i32
    %eq3A_829 = vector.broadcast %eq3A_828 : i32 to vector<128x128xi32>
    %eq3A_830 = arith.cmpi eq, %iota3A, %eq3A_829 : vector<128x128xi32>
    %broadcast_in_dim3A_831 = vector.shape_cast %add3A_827 : vector<128x1xi32> to vector<128x1xi32>
    %broadcast_in_dim3A_832 = vector.broadcast %broadcast_in_dim3A_831 : vector<128x1xi32> to vector<128x128xi32>
    %select_n3A_833 = arith.select %eq3A_830, %broadcast_in_dim3A_832, %select_n3A_799 : vector<128x128xi1>, vector<128x128xi32>
    %slice3A_834 = vector.extract_strided_slice %select_n3A_807 {offsets = [0, 1, 0], sizes = [128, 7, 128], strides = [1, 1, 1]} : vector<128x8x128xi32> to vector<128x7x128xi32>
    %concatenate3A_835 = tpu.concatenate %slice3A_834, %broadcast_in_dim3A_65 in 1 : vector<128x7x128xi32>, vector<128x1x128xi32> -> vector<128x8x128xi32>
    %eq3A_836 = vector.broadcast %broadcast_in_dim3A_820 : vector<128x1xi32> to vector<128x128xi32>
    %eq3A_837 = arith.cmpi eq, %iota3A, %eq3A_836 : vector<128x128xi32>
    %broadcast_in_dim3A_838 = vector.shape_cast %eq3A_837 : vector<128x128xi1> to vector<128x1x128xi1>
    %broadcast_in_dim3A_839 = vector.shape_cast %broadcast_in_dim3A_838 : vector<128x1x128xi1> to vector<128x1x128xi1>
    %broadcast_in_dim3A_840 = vector.broadcast %broadcast_in_dim3A_839 : vector<128x1x128xi1> to vector<128x8x128xi1>
    %select_n3A_841 = arith.select %broadcast_in_dim3A_840, %concatenate3A_835, %select_n3A_807 : vector<128x8x128xi1>, vector<128x8x128xi32>
    %slice3A_842 = vector.extract_strided_slice %select_n3A_841 {offsets = [0, 0, 0], sizes = [128, 1, 128], strides = [1, 1, 1]} : vector<128x8x128xi32> to vector<128x1x128xi32>
    %squeeze3A_843 = vector.shape_cast %slice3A_842 : vector<128x1x128xi32> to vector<128x128xi32>
    %reduce_max3A_844 = arith.constant dense<-2147483648> : vector<128xi32>
    %reduce_max3A_845 = vector.multi_reduction <maxsi>, %squeeze3A_843, %reduce_max3A_844 [1] : vector<128x128xi32> to vector<128xi32>
    %broadcast_in_dim3A_846 = vector.shape_cast %reduce_max3A_845 : vector<128xi32> to vector<128x1xi32>
    %eq3A_847 = vector.broadcast %broadcast_in_dim3A_846 : vector<128x1xi32> to vector<128x128xi32>
    %eq3A_848 = arith.cmpi eq, %squeeze3A_843, %eq3A_847 : vector<128x128xi32>
    %jit3A_849 = arith.constant 1048576 : i32
    %broadcast_in_dim3A_850 = vector.broadcast %jit3A_849 : i32 to vector<128x128xi32>
    %select_n3A_851 = arith.select %eq3A_848, %iota3A, %broadcast_in_dim3A_850 : vector<128x128xi1>, vector<128x128xi32>
    %reduce_min3A_852 = arith.constant dense<2147483647> : vector<128xi32>
    %reduce_min3A_853 = vector.multi_reduction <minsi>, %select_n3A_851, %reduce_min3A_852 [1] : vector<128x128xi32> to vector<128xi32>
    %broadcast_in_dim3A_854 = vector.shape_cast %reduce_min3A_853 : vector<128xi32> to vector<128x1xi32>
    %and3A_855 = arith.constant 127 : i32
    %and3A_856 = vector.broadcast %and3A_855 : i32 to vector<128x1xi32>
    %and3A_857 = arith.andi %broadcast_in_dim3A_846, %and3A_856 : vector<128x1xi32>
    %mul3A_858 = arith.constant 128 : i32
    %mul3A_859 = vector.broadcast %mul3A_858 : i32 to vector<128x1xi32>
    %mul3A_860 = arith.muli %and3A_857, %mul3A_859 : vector<128x1xi32>
    %add3A_861 = arith.addi %mul3A_860, %broadcast_in_dim3A_854 : vector<128x1xi32>
    %eq3A_862 = arith.constant 23 : i32
    %eq3A_863 = vector.broadcast %eq3A_862 : i32 to vector<128x128xi32>
    %eq3A_864 = arith.cmpi eq, %iota3A, %eq3A_863 : vector<128x128xi32>
    %broadcast_in_dim3A_865 = vector.shape_cast %add3A_861 : vector<128x1xi32> to vector<128x1xi32>
    %broadcast_in_dim3A_866 = vector.broadcast %broadcast_in_dim3A_865 : vector<128x1xi32> to vector<128x128xi32>
    %select_n3A_867 = arith.select %eq3A_864, %broadcast_in_dim3A_866, %select_n3A_833 : vector<128x128xi1>, vector<128x128xi32>
    %slice3A_868 = vector.extract_strided_slice %select_n3A_841 {offsets = [0, 1, 0], sizes = [128, 7, 128], strides = [1, 1, 1]} : vector<128x8x128xi32> to vector<128x7x128xi32>
    %concatenate3A_869 = tpu.concatenate %slice3A_868, %broadcast_in_dim3A_65 in 1 : vector<128x7x128xi32>, vector<128x1x128xi32> -> vector<128x8x128xi32>
    %eq3A_870 = vector.broadcast %broadcast_in_dim3A_854 : vector<128x1xi32> to vector<128x128xi32>
    %eq3A_871 = arith.cmpi eq, %iota3A, %eq3A_870 : vector<128x128xi32>
    %broadcast_in_dim3A_872 = vector.shape_cast %eq3A_871 : vector<128x128xi1> to vector<128x1x128xi1>
    %broadcast_in_dim3A_873 = vector.shape_cast %broadcast_in_dim3A_872 : vector<128x1x128xi1> to vector<128x1x128xi1>
    %broadcast_in_dim3A_874 = vector.broadcast %broadcast_in_dim3A_873 : vector<128x1x128xi1> to vector<128x8x128xi1>
    %select_n3A_875 = arith.select %broadcast_in_dim3A_874, %concatenate3A_869, %select_n3A_841 : vector<128x8x128xi1>, vector<128x8x128xi32>
    %slice3A_876 = vector.extract_strided_slice %select_n3A_875 {offsets = [0, 0, 0], sizes = [128, 1, 128], strides = [1, 1, 1]} : vector<128x8x128xi32> to vector<128x1x128xi32>
    %squeeze3A_877 = vector.shape_cast %slice3A_876 : vector<128x1x128xi32> to vector<128x128xi32>
    %reduce_max3A_878 = arith.constant dense<-2147483648> : vector<128xi32>
    %reduce_max3A_879 = vector.multi_reduction <maxsi>, %squeeze3A_877, %reduce_max3A_878 [1] : vector<128x128xi32> to vector<128xi32>
    %broadcast_in_dim3A_880 = vector.shape_cast %reduce_max3A_879 : vector<128xi32> to vector<128x1xi32>
    %eq3A_881 = vector.broadcast %broadcast_in_dim3A_880 : vector<128x1xi32> to vector<128x128xi32>
    %eq3A_882 = arith.cmpi eq, %squeeze3A_877, %eq3A_881 : vector<128x128xi32>
    %jit3A_883 = arith.constant 1048576 : i32
    %broadcast_in_dim3A_884 = vector.broadcast %jit3A_883 : i32 to vector<128x128xi32>
    %select_n3A_885 = arith.select %eq3A_882, %iota3A, %broadcast_in_dim3A_884 : vector<128x128xi1>, vector<128x128xi32>
    %reduce_min3A_886 = arith.constant dense<2147483647> : vector<128xi32>
    %reduce_min3A_887 = vector.multi_reduction <minsi>, %select_n3A_885, %reduce_min3A_886 [1] : vector<128x128xi32> to vector<128xi32>
    %broadcast_in_dim3A_888 = vector.shape_cast %reduce_min3A_887 : vector<128xi32> to vector<128x1xi32>
    %and3A_889 = arith.constant 127 : i32
    %and3A_890 = vector.broadcast %and3A_889 : i32 to vector<128x1xi32>
    %and3A_891 = arith.andi %broadcast_in_dim3A_880, %and3A_890 : vector<128x1xi32>
    %mul3A_892 = arith.constant 128 : i32
    %mul3A_893 = vector.broadcast %mul3A_892 : i32 to vector<128x1xi32>
    %mul3A_894 = arith.muli %and3A_891, %mul3A_893 : vector<128x1xi32>
    %add3A_895 = arith.addi %mul3A_894, %broadcast_in_dim3A_888 : vector<128x1xi32>
    %eq3A_896 = arith.constant 24 : i32
    %eq3A_897 = vector.broadcast %eq3A_896 : i32 to vector<128x128xi32>
    %eq3A_898 = arith.cmpi eq, %iota3A, %eq3A_897 : vector<128x128xi32>
    %broadcast_in_dim3A_899 = vector.shape_cast %add3A_895 : vector<128x1xi32> to vector<128x1xi32>
    %broadcast_in_dim3A_900 = vector.broadcast %broadcast_in_dim3A_899 : vector<128x1xi32> to vector<128x128xi32>
    %select_n3A_901 = arith.select %eq3A_898, %broadcast_in_dim3A_900, %select_n3A_867 : vector<128x128xi1>, vector<128x128xi32>
    %slice3A_902 = vector.extract_strided_slice %select_n3A_875 {offsets = [0, 1, 0], sizes = [128, 7, 128], strides = [1, 1, 1]} : vector<128x8x128xi32> to vector<128x7x128xi32>
    %concatenate3A_903 = tpu.concatenate %slice3A_902, %broadcast_in_dim3A_65 in 1 : vector<128x7x128xi32>, vector<128x1x128xi32> -> vector<128x8x128xi32>
    %eq3A_904 = vector.broadcast %broadcast_in_dim3A_888 : vector<128x1xi32> to vector<128x128xi32>
    %eq3A_905 = arith.cmpi eq, %iota3A, %eq3A_904 : vector<128x128xi32>
    %broadcast_in_dim3A_906 = vector.shape_cast %eq3A_905 : vector<128x128xi1> to vector<128x1x128xi1>
    %broadcast_in_dim3A_907 = vector.shape_cast %broadcast_in_dim3A_906 : vector<128x1x128xi1> to vector<128x1x128xi1>
    %broadcast_in_dim3A_908 = vector.broadcast %broadcast_in_dim3A_907 : vector<128x1x128xi1> to vector<128x8x128xi1>
    %select_n3A_909 = arith.select %broadcast_in_dim3A_908, %concatenate3A_903, %select_n3A_875 : vector<128x8x128xi1>, vector<128x8x128xi32>
    %slice3A_910 = vector.extract_strided_slice %select_n3A_909 {offsets = [0, 0, 0], sizes = [128, 1, 128], strides = [1, 1, 1]} : vector<128x8x128xi32> to vector<128x1x128xi32>
    %squeeze3A_911 = vector.shape_cast %slice3A_910 : vector<128x1x128xi32> to vector<128x128xi32>
    %reduce_max3A_912 = arith.constant dense<-2147483648> : vector<128xi32>
    %reduce_max3A_913 = vector.multi_reduction <maxsi>, %squeeze3A_911, %reduce_max3A_912 [1] : vector<128x128xi32> to vector<128xi32>
    %broadcast_in_dim3A_914 = vector.shape_cast %reduce_max3A_913 : vector<128xi32> to vector<128x1xi32>
    %eq3A_915 = vector.broadcast %broadcast_in_dim3A_914 : vector<128x1xi32> to vector<128x128xi32>
    %eq3A_916 = arith.cmpi eq, %squeeze3A_911, %eq3A_915 : vector<128x128xi32>
    %jit3A_917 = arith.constant 1048576 : i32
    %broadcast_in_dim3A_918 = vector.broadcast %jit3A_917 : i32 to vector<128x128xi32>
    %select_n3A_919 = arith.select %eq3A_916, %iota3A, %broadcast_in_dim3A_918 : vector<128x128xi1>, vector<128x128xi32>
    %reduce_min3A_920 = arith.constant dense<2147483647> : vector<128xi32>
    %reduce_min3A_921 = vector.multi_reduction <minsi>, %select_n3A_919, %reduce_min3A_920 [1] : vector<128x128xi32> to vector<128xi32>
    %broadcast_in_dim3A_922 = vector.shape_cast %reduce_min3A_921 : vector<128xi32> to vector<128x1xi32>
    %and3A_923 = arith.constant 127 : i32
    %and3A_924 = vector.broadcast %and3A_923 : i32 to vector<128x1xi32>
    %and3A_925 = arith.andi %broadcast_in_dim3A_914, %and3A_924 : vector<128x1xi32>
    %mul3A_926 = arith.constant 128 : i32
    %mul3A_927 = vector.broadcast %mul3A_926 : i32 to vector<128x1xi32>
    %mul3A_928 = arith.muli %and3A_925, %mul3A_927 : vector<128x1xi32>
    %add3A_929 = arith.addi %mul3A_928, %broadcast_in_dim3A_922 : vector<128x1xi32>
    %eq3A_930 = arith.constant 25 : i32
    %eq3A_931 = vector.broadcast %eq3A_930 : i32 to vector<128x128xi32>
    %eq3A_932 = arith.cmpi eq, %iota3A, %eq3A_931 : vector<128x128xi32>
    %broadcast_in_dim3A_933 = vector.shape_cast %add3A_929 : vector<128x1xi32> to vector<128x1xi32>
    %broadcast_in_dim3A_934 = vector.broadcast %broadcast_in_dim3A_933 : vector<128x1xi32> to vector<128x128xi32>
    %select_n3A_935 = arith.select %eq3A_932, %broadcast_in_dim3A_934, %select_n3A_901 : vector<128x128xi1>, vector<128x128xi32>
    %slice3A_936 = vector.extract_strided_slice %select_n3A_909 {offsets = [0, 1, 0], sizes = [128, 7, 128], strides = [1, 1, 1]} : vector<128x8x128xi32> to vector<128x7x128xi32>
    %concatenate3A_937 = tpu.concatenate %slice3A_936, %broadcast_in_dim3A_65 in 1 : vector<128x7x128xi32>, vector<128x1x128xi32> -> vector<128x8x128xi32>
    %eq3A_938 = vector.broadcast %broadcast_in_dim3A_922 : vector<128x1xi32> to vector<128x128xi32>
    %eq3A_939 = arith.cmpi eq, %iota3A, %eq3A_938 : vector<128x128xi32>
    %broadcast_in_dim3A_940 = vector.shape_cast %eq3A_939 : vector<128x128xi1> to vector<128x1x128xi1>
    %broadcast_in_dim3A_941 = vector.shape_cast %broadcast_in_dim3A_940 : vector<128x1x128xi1> to vector<128x1x128xi1>
    %broadcast_in_dim3A_942 = vector.broadcast %broadcast_in_dim3A_941 : vector<128x1x128xi1> to vector<128x8x128xi1>
    %select_n3A_943 = arith.select %broadcast_in_dim3A_942, %concatenate3A_937, %select_n3A_909 : vector<128x8x128xi1>, vector<128x8x128xi32>
    %slice3A_944 = vector.extract_strided_slice %select_n3A_943 {offsets = [0, 0, 0], sizes = [128, 1, 128], strides = [1, 1, 1]} : vector<128x8x128xi32> to vector<128x1x128xi32>
    %squeeze3A_945 = vector.shape_cast %slice3A_944 : vector<128x1x128xi32> to vector<128x128xi32>
    %reduce_max3A_946 = arith.constant dense<-2147483648> : vector<128xi32>
    %reduce_max3A_947 = vector.multi_reduction <maxsi>, %squeeze3A_945, %reduce_max3A_946 [1] : vector<128x128xi32> to vector<128xi32>
    %broadcast_in_dim3A_948 = vector.shape_cast %reduce_max3A_947 : vector<128xi32> to vector<128x1xi32>
    %eq3A_949 = vector.broadcast %broadcast_in_dim3A_948 : vector<128x1xi32> to vector<128x128xi32>
    %eq3A_950 = arith.cmpi eq, %squeeze3A_945, %eq3A_949 : vector<128x128xi32>
    %jit3A_951 = arith.constant 1048576 : i32
    %broadcast_in_dim3A_952 = vector.broadcast %jit3A_951 : i32 to vector<128x128xi32>
    %select_n3A_953 = arith.select %eq3A_950, %iota3A, %broadcast_in_dim3A_952 : vector<128x128xi1>, vector<128x128xi32>
    %reduce_min3A_954 = arith.constant dense<2147483647> : vector<128xi32>
    %reduce_min3A_955 = vector.multi_reduction <minsi>, %select_n3A_953, %reduce_min3A_954 [1] : vector<128x128xi32> to vector<128xi32>
    %broadcast_in_dim3A_956 = vector.shape_cast %reduce_min3A_955 : vector<128xi32> to vector<128x1xi32>
    %and3A_957 = arith.constant 127 : i32
    %and3A_958 = vector.broadcast %and3A_957 : i32 to vector<128x1xi32>
    %and3A_959 = arith.andi %broadcast_in_dim3A_948, %and3A_958 : vector<128x1xi32>
    %mul3A_960 = arith.constant 128 : i32
    %mul3A_961 = vector.broadcast %mul3A_960 : i32 to vector<128x1xi32>
    %mul3A_962 = arith.muli %and3A_959, %mul3A_961 : vector<128x1xi32>
    %add3A_963 = arith.addi %mul3A_962, %broadcast_in_dim3A_956 : vector<128x1xi32>
    %eq3A_964 = arith.constant 26 : i32
    %eq3A_965 = vector.broadcast %eq3A_964 : i32 to vector<128x128xi32>
    %eq3A_966 = arith.cmpi eq, %iota3A, %eq3A_965 : vector<128x128xi32>
    %broadcast_in_dim3A_967 = vector.shape_cast %add3A_963 : vector<128x1xi32> to vector<128x1xi32>
    %broadcast_in_dim3A_968 = vector.broadcast %broadcast_in_dim3A_967 : vector<128x1xi32> to vector<128x128xi32>
    %select_n3A_969 = arith.select %eq3A_966, %broadcast_in_dim3A_968, %select_n3A_935 : vector<128x128xi1>, vector<128x128xi32>
    %slice3A_970 = vector.extract_strided_slice %select_n3A_943 {offsets = [0, 1, 0], sizes = [128, 7, 128], strides = [1, 1, 1]} : vector<128x8x128xi32> to vector<128x7x128xi32>
    %concatenate3A_971 = tpu.concatenate %slice3A_970, %broadcast_in_dim3A_65 in 1 : vector<128x7x128xi32>, vector<128x1x128xi32> -> vector<128x8x128xi32>
    %eq3A_972 = vector.broadcast %broadcast_in_dim3A_956 : vector<128x1xi32> to vector<128x128xi32>
    %eq3A_973 = arith.cmpi eq, %iota3A, %eq3A_972 : vector<128x128xi32>
    %broadcast_in_dim3A_974 = vector.shape_cast %eq3A_973 : vector<128x128xi1> to vector<128x1x128xi1>
    %broadcast_in_dim3A_975 = vector.shape_cast %broadcast_in_dim3A_974 : vector<128x1x128xi1> to vector<128x1x128xi1>
    %broadcast_in_dim3A_976 = vector.broadcast %broadcast_in_dim3A_975 : vector<128x1x128xi1> to vector<128x8x128xi1>
    %select_n3A_977 = arith.select %broadcast_in_dim3A_976, %concatenate3A_971, %select_n3A_943 : vector<128x8x128xi1>, vector<128x8x128xi32>
    %slice3A_978 = vector.extract_strided_slice %select_n3A_977 {offsets = [0, 0, 0], sizes = [128, 1, 128], strides = [1, 1, 1]} : vector<128x8x128xi32> to vector<128x1x128xi32>
    %squeeze3A_979 = vector.shape_cast %slice3A_978 : vector<128x1x128xi32> to vector<128x128xi32>
    %reduce_max3A_980 = arith.constant dense<-2147483648> : vector<128xi32>
    %reduce_max3A_981 = vector.multi_reduction <maxsi>, %squeeze3A_979, %reduce_max3A_980 [1] : vector<128x128xi32> to vector<128xi32>
    %broadcast_in_dim3A_982 = vector.shape_cast %reduce_max3A_981 : vector<128xi32> to vector<128x1xi32>
    %eq3A_983 = vector.broadcast %broadcast_in_dim3A_982 : vector<128x1xi32> to vector<128x128xi32>
    %eq3A_984 = arith.cmpi eq, %squeeze3A_979, %eq3A_983 : vector<128x128xi32>
    %jit3A_985 = arith.constant 1048576 : i32
    %broadcast_in_dim3A_986 = vector.broadcast %jit3A_985 : i32 to vector<128x128xi32>
    %select_n3A_987 = arith.select %eq3A_984, %iota3A, %broadcast_in_dim3A_986 : vector<128x128xi1>, vector<128x128xi32>
    %reduce_min3A_988 = arith.constant dense<2147483647> : vector<128xi32>
    %reduce_min3A_989 = vector.multi_reduction <minsi>, %select_n3A_987, %reduce_min3A_988 [1] : vector<128x128xi32> to vector<128xi32>
    %broadcast_in_dim3A_990 = vector.shape_cast %reduce_min3A_989 : vector<128xi32> to vector<128x1xi32>
    %and3A_991 = arith.constant 127 : i32
    %and3A_992 = vector.broadcast %and3A_991 : i32 to vector<128x1xi32>
    %and3A_993 = arith.andi %broadcast_in_dim3A_982, %and3A_992 : vector<128x1xi32>
    %mul3A_994 = arith.constant 128 : i32
    %mul3A_995 = vector.broadcast %mul3A_994 : i32 to vector<128x1xi32>
    %mul3A_996 = arith.muli %and3A_993, %mul3A_995 : vector<128x1xi32>
    %add3A_997 = arith.addi %mul3A_996, %broadcast_in_dim3A_990 : vector<128x1xi32>
    %eq3A_998 = arith.constant 27 : i32
    %eq3A_999 = vector.broadcast %eq3A_998 : i32 to vector<128x128xi32>
    %eq3A_1000 = arith.cmpi eq, %iota3A, %eq3A_999 : vector<128x128xi32>
    %broadcast_in_dim3A_1001 = vector.shape_cast %add3A_997 : vector<128x1xi32> to vector<128x1xi32>
    %broadcast_in_dim3A_1002 = vector.broadcast %broadcast_in_dim3A_1001 : vector<128x1xi32> to vector<128x128xi32>
    %select_n3A_1003 = arith.select %eq3A_1000, %broadcast_in_dim3A_1002, %select_n3A_969 : vector<128x128xi1>, vector<128x128xi32>
    %slice3A_1004 = vector.extract_strided_slice %select_n3A_977 {offsets = [0, 1, 0], sizes = [128, 7, 128], strides = [1, 1, 1]} : vector<128x8x128xi32> to vector<128x7x128xi32>
    %concatenate3A_1005 = tpu.concatenate %slice3A_1004, %broadcast_in_dim3A_65 in 1 : vector<128x7x128xi32>, vector<128x1x128xi32> -> vector<128x8x128xi32>
    %eq3A_1006 = vector.broadcast %broadcast_in_dim3A_990 : vector<128x1xi32> to vector<128x128xi32>
    %eq3A_1007 = arith.cmpi eq, %iota3A, %eq3A_1006 : vector<128x128xi32>
    %broadcast_in_dim3A_1008 = vector.shape_cast %eq3A_1007 : vector<128x128xi1> to vector<128x1x128xi1>
    %broadcast_in_dim3A_1009 = vector.shape_cast %broadcast_in_dim3A_1008 : vector<128x1x128xi1> to vector<128x1x128xi1>
    %broadcast_in_dim3A_1010 = vector.broadcast %broadcast_in_dim3A_1009 : vector<128x1x128xi1> to vector<128x8x128xi1>
    %select_n3A_1011 = arith.select %broadcast_in_dim3A_1010, %concatenate3A_1005, %select_n3A_977 : vector<128x8x128xi1>, vector<128x8x128xi32>
    %slice3A_1012 = vector.extract_strided_slice %select_n3A_1011 {offsets = [0, 0, 0], sizes = [128, 1, 128], strides = [1, 1, 1]} : vector<128x8x128xi32> to vector<128x1x128xi32>
    %squeeze3A_1013 = vector.shape_cast %slice3A_1012 : vector<128x1x128xi32> to vector<128x128xi32>
    %reduce_max3A_1014 = arith.constant dense<-2147483648> : vector<128xi32>
    %reduce_max3A_1015 = vector.multi_reduction <maxsi>, %squeeze3A_1013, %reduce_max3A_1014 [1] : vector<128x128xi32> to vector<128xi32>
    %broadcast_in_dim3A_1016 = vector.shape_cast %reduce_max3A_1015 : vector<128xi32> to vector<128x1xi32>
    %eq3A_1017 = vector.broadcast %broadcast_in_dim3A_1016 : vector<128x1xi32> to vector<128x128xi32>
    %eq3A_1018 = arith.cmpi eq, %squeeze3A_1013, %eq3A_1017 : vector<128x128xi32>
    %jit3A_1019 = arith.constant 1048576 : i32
    %broadcast_in_dim3A_1020 = vector.broadcast %jit3A_1019 : i32 to vector<128x128xi32>
    %select_n3A_1021 = arith.select %eq3A_1018, %iota3A, %broadcast_in_dim3A_1020 : vector<128x128xi1>, vector<128x128xi32>
    %reduce_min3A_1022 = arith.constant dense<2147483647> : vector<128xi32>
    %reduce_min3A_1023 = vector.multi_reduction <minsi>, %select_n3A_1021, %reduce_min3A_1022 [1] : vector<128x128xi32> to vector<128xi32>
    %broadcast_in_dim3A_1024 = vector.shape_cast %reduce_min3A_1023 : vector<128xi32> to vector<128x1xi32>
    %and3A_1025 = arith.constant 127 : i32
    %and3A_1026 = vector.broadcast %and3A_1025 : i32 to vector<128x1xi32>
    %and3A_1027 = arith.andi %broadcast_in_dim3A_1016, %and3A_1026 : vector<128x1xi32>
    %mul3A_1028 = arith.constant 128 : i32
    %mul3A_1029 = vector.broadcast %mul3A_1028 : i32 to vector<128x1xi32>
    %mul3A_1030 = arith.muli %and3A_1027, %mul3A_1029 : vector<128x1xi32>
    %add3A_1031 = arith.addi %mul3A_1030, %broadcast_in_dim3A_1024 : vector<128x1xi32>
    %eq3A_1032 = arith.constant 28 : i32
    %eq3A_1033 = vector.broadcast %eq3A_1032 : i32 to vector<128x128xi32>
    %eq3A_1034 = arith.cmpi eq, %iota3A, %eq3A_1033 : vector<128x128xi32>
    %broadcast_in_dim3A_1035 = vector.shape_cast %add3A_1031 : vector<128x1xi32> to vector<128x1xi32>
    %broadcast_in_dim3A_1036 = vector.broadcast %broadcast_in_dim3A_1035 : vector<128x1xi32> to vector<128x128xi32>
    %select_n3A_1037 = arith.select %eq3A_1034, %broadcast_in_dim3A_1036, %select_n3A_1003 : vector<128x128xi1>, vector<128x128xi32>
    %slice3A_1038 = vector.extract_strided_slice %select_n3A_1011 {offsets = [0, 1, 0], sizes = [128, 7, 128], strides = [1, 1, 1]} : vector<128x8x128xi32> to vector<128x7x128xi32>
    %concatenate3A_1039 = tpu.concatenate %slice3A_1038, %broadcast_in_dim3A_65 in 1 : vector<128x7x128xi32>, vector<128x1x128xi32> -> vector<128x8x128xi32>
    %eq3A_1040 = vector.broadcast %broadcast_in_dim3A_1024 : vector<128x1xi32> to vector<128x128xi32>
    %eq3A_1041 = arith.cmpi eq, %iota3A, %eq3A_1040 : vector<128x128xi32>
    %broadcast_in_dim3A_1042 = vector.shape_cast %eq3A_1041 : vector<128x128xi1> to vector<128x1x128xi1>
    %broadcast_in_dim3A_1043 = vector.shape_cast %broadcast_in_dim3A_1042 : vector<128x1x128xi1> to vector<128x1x128xi1>
    %broadcast_in_dim3A_1044 = vector.broadcast %broadcast_in_dim3A_1043 : vector<128x1x128xi1> to vector<128x8x128xi1>
    %select_n3A_1045 = arith.select %broadcast_in_dim3A_1044, %concatenate3A_1039, %select_n3A_1011 : vector<128x8x128xi1>, vector<128x8x128xi32>
    %slice3A_1046 = vector.extract_strided_slice %select_n3A_1045 {offsets = [0, 0, 0], sizes = [128, 1, 128], strides = [1, 1, 1]} : vector<128x8x128xi32> to vector<128x1x128xi32>
    %squeeze3A_1047 = vector.shape_cast %slice3A_1046 : vector<128x1x128xi32> to vector<128x128xi32>
    %reduce_max3A_1048 = arith.constant dense<-2147483648> : vector<128xi32>
    %reduce_max3A_1049 = vector.multi_reduction <maxsi>, %squeeze3A_1047, %reduce_max3A_1048 [1] : vector<128x128xi32> to vector<128xi32>
    %broadcast_in_dim3A_1050 = vector.shape_cast %reduce_max3A_1049 : vector<128xi32> to vector<128x1xi32>
    %eq3A_1051 = vector.broadcast %broadcast_in_dim3A_1050 : vector<128x1xi32> to vector<128x128xi32>
    %eq3A_1052 = arith.cmpi eq, %squeeze3A_1047, %eq3A_1051 : vector<128x128xi32>
    %jit3A_1053 = arith.constant 1048576 : i32
    %broadcast_in_dim3A_1054 = vector.broadcast %jit3A_1053 : i32 to vector<128x128xi32>
    %select_n3A_1055 = arith.select %eq3A_1052, %iota3A, %broadcast_in_dim3A_1054 : vector<128x128xi1>, vector<128x128xi32>
    %reduce_min3A_1056 = arith.constant dense<2147483647> : vector<128xi32>
    %reduce_min3A_1057 = vector.multi_reduction <minsi>, %select_n3A_1055, %reduce_min3A_1056 [1] : vector<128x128xi32> to vector<128xi32>
    %broadcast_in_dim3A_1058 = vector.shape_cast %reduce_min3A_1057 : vector<128xi32> to vector<128x1xi32>
    %and3A_1059 = arith.constant 127 : i32
    %and3A_1060 = vector.broadcast %and3A_1059 : i32 to vector<128x1xi32>
    %and3A_1061 = arith.andi %broadcast_in_dim3A_1050, %and3A_1060 : vector<128x1xi32>
    %mul3A_1062 = arith.constant 128 : i32
    %mul3A_1063 = vector.broadcast %mul3A_1062 : i32 to vector<128x1xi32>
    %mul3A_1064 = arith.muli %and3A_1061, %mul3A_1063 : vector<128x1xi32>
    %add3A_1065 = arith.addi %mul3A_1064, %broadcast_in_dim3A_1058 : vector<128x1xi32>
    %eq3A_1066 = arith.constant 29 : i32
    %eq3A_1067 = vector.broadcast %eq3A_1066 : i32 to vector<128x128xi32>
    %eq3A_1068 = arith.cmpi eq, %iota3A, %eq3A_1067 : vector<128x128xi32>
    %broadcast_in_dim3A_1069 = vector.shape_cast %add3A_1065 : vector<128x1xi32> to vector<128x1xi32>
    %broadcast_in_dim3A_1070 = vector.broadcast %broadcast_in_dim3A_1069 : vector<128x1xi32> to vector<128x128xi32>
    %select_n3A_1071 = arith.select %eq3A_1068, %broadcast_in_dim3A_1070, %select_n3A_1037 : vector<128x128xi1>, vector<128x128xi32>
    %slice3A_1072 = vector.extract_strided_slice %select_n3A_1045 {offsets = [0, 1, 0], sizes = [128, 7, 128], strides = [1, 1, 1]} : vector<128x8x128xi32> to vector<128x7x128xi32>
    %concatenate3A_1073 = tpu.concatenate %slice3A_1072, %broadcast_in_dim3A_65 in 1 : vector<128x7x128xi32>, vector<128x1x128xi32> -> vector<128x8x128xi32>
    %eq3A_1074 = vector.broadcast %broadcast_in_dim3A_1058 : vector<128x1xi32> to vector<128x128xi32>
    %eq3A_1075 = arith.cmpi eq, %iota3A, %eq3A_1074 : vector<128x128xi32>
    %broadcast_in_dim3A_1076 = vector.shape_cast %eq3A_1075 : vector<128x128xi1> to vector<128x1x128xi1>
    %broadcast_in_dim3A_1077 = vector.shape_cast %broadcast_in_dim3A_1076 : vector<128x1x128xi1> to vector<128x1x128xi1>
    %broadcast_in_dim3A_1078 = vector.broadcast %broadcast_in_dim3A_1077 : vector<128x1x128xi1> to vector<128x8x128xi1>
    %select_n3A_1079 = arith.select %broadcast_in_dim3A_1078, %concatenate3A_1073, %select_n3A_1045 : vector<128x8x128xi1>, vector<128x8x128xi32>
    %slice3A_1080 = vector.extract_strided_slice %select_n3A_1079 {offsets = [0, 0, 0], sizes = [128, 1, 128], strides = [1, 1, 1]} : vector<128x8x128xi32> to vector<128x1x128xi32>
    %squeeze3A_1081 = vector.shape_cast %slice3A_1080 : vector<128x1x128xi32> to vector<128x128xi32>
    %reduce_max3A_1082 = arith.constant dense<-2147483648> : vector<128xi32>
    %reduce_max3A_1083 = vector.multi_reduction <maxsi>, %squeeze3A_1081, %reduce_max3A_1082 [1] : vector<128x128xi32> to vector<128xi32>
    %broadcast_in_dim3A_1084 = vector.shape_cast %reduce_max3A_1083 : vector<128xi32> to vector<128x1xi32>
    %eq3A_1085 = vector.broadcast %broadcast_in_dim3A_1084 : vector<128x1xi32> to vector<128x128xi32>
    %eq3A_1086 = arith.cmpi eq, %squeeze3A_1081, %eq3A_1085 : vector<128x128xi32>
    %jit3A_1087 = arith.constant 1048576 : i32
    %broadcast_in_dim3A_1088 = vector.broadcast %jit3A_1087 : i32 to vector<128x128xi32>
    %select_n3A_1089 = arith.select %eq3A_1086, %iota3A, %broadcast_in_dim3A_1088 : vector<128x128xi1>, vector<128x128xi32>
    %reduce_min3A_1090 = arith.constant dense<2147483647> : vector<128xi32>
    %reduce_min3A_1091 = vector.multi_reduction <minsi>, %select_n3A_1089, %reduce_min3A_1090 [1] : vector<128x128xi32> to vector<128xi32>
    %broadcast_in_dim3A_1092 = vector.shape_cast %reduce_min3A_1091 : vector<128xi32> to vector<128x1xi32>
    %and3A_1093 = arith.constant 127 : i32
    %and3A_1094 = vector.broadcast %and3A_1093 : i32 to vector<128x1xi32>
    %and3A_1095 = arith.andi %broadcast_in_dim3A_1084, %and3A_1094 : vector<128x1xi32>
    %mul3A_1096 = arith.constant 128 : i32
    %mul3A_1097 = vector.broadcast %mul3A_1096 : i32 to vector<128x1xi32>
    %mul3A_1098 = arith.muli %and3A_1095, %mul3A_1097 : vector<128x1xi32>
    %add3A_1099 = arith.addi %mul3A_1098, %broadcast_in_dim3A_1092 : vector<128x1xi32>
    %eq3A_1100 = arith.constant 30 : i32
    %eq3A_1101 = vector.broadcast %eq3A_1100 : i32 to vector<128x128xi32>
    %eq3A_1102 = arith.cmpi eq, %iota3A, %eq3A_1101 : vector<128x128xi32>
    %broadcast_in_dim3A_1103 = vector.shape_cast %add3A_1099 : vector<128x1xi32> to vector<128x1xi32>
    %broadcast_in_dim3A_1104 = vector.broadcast %broadcast_in_dim3A_1103 : vector<128x1xi32> to vector<128x128xi32>
    %select_n3A_1105 = arith.select %eq3A_1102, %broadcast_in_dim3A_1104, %select_n3A_1071 : vector<128x128xi1>, vector<128x128xi32>
    %slice3A_1106 = vector.extract_strided_slice %select_n3A_1079 {offsets = [0, 1, 0], sizes = [128, 7, 128], strides = [1, 1, 1]} : vector<128x8x128xi32> to vector<128x7x128xi32>
    %concatenate3A_1107 = tpu.concatenate %slice3A_1106, %broadcast_in_dim3A_65 in 1 : vector<128x7x128xi32>, vector<128x1x128xi32> -> vector<128x8x128xi32>
    %eq3A_1108 = vector.broadcast %broadcast_in_dim3A_1092 : vector<128x1xi32> to vector<128x128xi32>
    %eq3A_1109 = arith.cmpi eq, %iota3A, %eq3A_1108 : vector<128x128xi32>
    %broadcast_in_dim3A_1110 = vector.shape_cast %eq3A_1109 : vector<128x128xi1> to vector<128x1x128xi1>
    %broadcast_in_dim3A_1111 = vector.shape_cast %broadcast_in_dim3A_1110 : vector<128x1x128xi1> to vector<128x1x128xi1>
    %broadcast_in_dim3A_1112 = vector.broadcast %broadcast_in_dim3A_1111 : vector<128x1x128xi1> to vector<128x8x128xi1>
    %select_n3A_1113 = arith.select %broadcast_in_dim3A_1112, %concatenate3A_1107, %select_n3A_1079 : vector<128x8x128xi1>, vector<128x8x128xi32>
    %slice3A_1114 = vector.extract_strided_slice %select_n3A_1113 {offsets = [0, 0, 0], sizes = [128, 1, 128], strides = [1, 1, 1]} : vector<128x8x128xi32> to vector<128x1x128xi32>
    %squeeze3A_1115 = vector.shape_cast %slice3A_1114 : vector<128x1x128xi32> to vector<128x128xi32>
    %reduce_max3A_1116 = arith.constant dense<-2147483648> : vector<128xi32>
    %reduce_max3A_1117 = vector.multi_reduction <maxsi>, %squeeze3A_1115, %reduce_max3A_1116 [1] : vector<128x128xi32> to vector<128xi32>
    %broadcast_in_dim3A_1118 = vector.shape_cast %reduce_max3A_1117 : vector<128xi32> to vector<128x1xi32>
    %eq3A_1119 = vector.broadcast %broadcast_in_dim3A_1118 : vector<128x1xi32> to vector<128x128xi32>
    %eq3A_1120 = arith.cmpi eq, %squeeze3A_1115, %eq3A_1119 : vector<128x128xi32>
    %jit3A_1121 = arith.constant 1048576 : i32
    %broadcast_in_dim3A_1122 = vector.broadcast %jit3A_1121 : i32 to vector<128x128xi32>
    %select_n3A_1123 = arith.select %eq3A_1120, %iota3A, %broadcast_in_dim3A_1122 : vector<128x128xi1>, vector<128x128xi32>
    %reduce_min3A_1124 = arith.constant dense<2147483647> : vector<128xi32>
    %reduce_min3A_1125 = vector.multi_reduction <minsi>, %select_n3A_1123, %reduce_min3A_1124 [1] : vector<128x128xi32> to vector<128xi32>
    %broadcast_in_dim3A_1126 = vector.shape_cast %reduce_min3A_1125 : vector<128xi32> to vector<128x1xi32>
    %and3A_1127 = arith.constant 127 : i32
    %and3A_1128 = vector.broadcast %and3A_1127 : i32 to vector<128x1xi32>
    %and3A_1129 = arith.andi %broadcast_in_dim3A_1118, %and3A_1128 : vector<128x1xi32>
    %mul3A_1130 = arith.constant 128 : i32
    %mul3A_1131 = vector.broadcast %mul3A_1130 : i32 to vector<128x1xi32>
    %mul3A_1132 = arith.muli %and3A_1129, %mul3A_1131 : vector<128x1xi32>
    %add3A_1133 = arith.addi %mul3A_1132, %broadcast_in_dim3A_1126 : vector<128x1xi32>
    %eq3A_1134 = arith.constant 31 : i32
    %eq3A_1135 = vector.broadcast %eq3A_1134 : i32 to vector<128x128xi32>
    %eq3A_1136 = arith.cmpi eq, %iota3A, %eq3A_1135 : vector<128x128xi32>
    %broadcast_in_dim3A_1137 = vector.shape_cast %add3A_1133 : vector<128x1xi32> to vector<128x1xi32>
    %broadcast_in_dim3A_1138 = vector.broadcast %broadcast_in_dim3A_1137 : vector<128x1xi32> to vector<128x128xi32>
    %select_n3A_1139 = arith.select %eq3A_1136, %broadcast_in_dim3A_1138, %select_n3A_1105 : vector<128x128xi1>, vector<128x128xi32>
    %slice3A_1140 = vector.extract_strided_slice %select_n3A_1139 {offsets = [0, 0], sizes = [128, 32], strides = [1, 1]} : vector<128x128xi32> to vector<128x32xi32>
    %swap3A_1141 = arith.constant 0 : index
    %swap3A_1142 = arith.constant 0 : index
    %swap3A_1143 = vector.load %arg3[%swap3A_1141, %swap3A_1142] : memref<128x32xi32, #tpu.memory_space<vmem>>, vector<128x32xi32>
    tpu.vector_store %arg3[%swap3A_1141, %swap3A_1142], %slice3A_1140 {strides = array<i32>} : memref<128x32xi32, #tpu.memory_space<vmem>>, vector<128x32xi32>,
    return
  }
  func.func @transform_0(%arg0: i32) -> (i32, i32) {
    %c0_i32 = arith.constant 0 : i32
    %c0_i32_0 = arith.constant 0 : i32
    return %arg0, %c0_i32 : i32, i32
  }
  func.func @transform_1(%arg0: i32) -> (i32, i32) {
    %c0_i32 = arith.constant 0 : i32
    %c0_i32_0 = arith.constant 0 : i32
    %c0_i32_1 = arith.constant 0 : i32
    return %c0_i32, %c0_i32_0 : i32, i32
  }
  func.func @transform_2(%arg0: i32) -> (i32, i32) {
    %c0_i32 = arith.constant 0 : i32
    %c0_i32_0 = arith.constant 0 : i32
    return %arg0, %c0_i32 : i32, i32
  }
}

module attributes {stable_mosaic.version = 14 : i64} {
  func.func @_gat1_body(%arg0: i32, %arg1: memref<8192x128xf32, #tpu.memory_space<vmem>>, %arg2: memref<256x128xf32, #tpu.memory_space<vmem>>, %arg3: memref<128x8xf32, #tpu.memory_space<vmem>>, %arg4: memref<8x128xf32, #tpu.memory_space<vmem>>, %arg5: memref<1x128xf32, #tpu.memory_space<vmem>>, %arg6: memref<128x512xf32, #tpu.memory_space<vmem>>, %arg7: memref<256x128xf32, #tpu.memory_space<vmem>>, %arg8: memref<256x512xf32, #tpu.memory_space<vmem>>) attributes {dimension_semantics = [#tpu.dimension_semantics<arbitrary>], iteration_bounds = array<i64: 40>, scalar_prefetch = 0 : i64, scratch_operands = 0 : i64, tpu.core_type = #tpu.core_type<tc>, window_params = [{transform_indices = @transform_0, window_bounds = array<i64: 8192, 128>}, {transform_indices = @transform_1, window_bounds = array<i64: 256, 128>}, {pipeline_mode = #tpu.pipeline_mode<synchronous>, transform_indices = @transform_2, window_bounds = array<i64: 128, 8>}, {pipeline_mode = #tpu.pipeline_mode<synchronous>, transform_indices = @transform_3, window_bounds = array<i64: 8, 128>}, {pipeline_mode = #tpu.pipeline_mode<synchronous>, transform_indices = @transform_4, window_bounds = array<i64: 1, 128>}, {pipeline_mode = #tpu.pipeline_mode<synchronous>, transform_indices = @transform_5, window_bounds = array<i64: 128, 512>}, {transform_indices = @transform_6, window_bounds = array<i64: 256, 128>}, {transform_indices = @transform_7, window_bounds = array<i64: 256, 512>}]} {
    %get3A = arith.constant 0 : index
    %get3A_0 = arith.constant 0 : index
    %get3A_1 = vector.load %arg1[%get3A, %get3A_0] : memref<8192x128xf32, #tpu.memory_space<vmem>>, vector<8192x128xf32>
    %get3A_2 = arith.constant 0 : index
    %get3A_3 = arith.constant 0 : index
    %get3A_4 = vector.load %arg2[%get3A_2, %get3A_3] : memref<256x128xf32, #tpu.memory_space<vmem>>, vector<256x128xf32>
    %broadcast_in_dim3A = vector.shape_cast %get3A_4 : vector<256x128xf32> to vector<256x1x128xf32>
    %broadcast_in_dim3A_5 = vector.shape_cast %broadcast_in_dim3A : vector<256x1x128xf32> to vector<256x1x128xf32>
    %broadcast_in_dim3A_6 = vector.broadcast %broadcast_in_dim3A_5 : vector<256x1x128xf32> to vector<256x32x128xf32>
    %reshape3A = vector.shape_cast %broadcast_in_dim3A_6 : vector<256x32x128xf32> to vector<8192x128xf32>
    %add3A = arith.addf %get3A_1, %reshape3A : vector<8192x128xf32>
    %gt3A = arith.constant 0.000000e+00 : f32
    %gt3A_7 = vector.broadcast %gt3A : f32 to vector<8192x128xf32>
    %gt3A_8 = arith.cmpf ogt, %add3A, %gt3A_7 : vector<8192x128xf32>
    %mul3A = arith.constant 2.000000e-01 : f32
    %mul3A_9 = vector.broadcast %mul3A : f32 to vector<8192x128xf32>
    %mul3A_10 = arith.mulf %mul3A_9, %add3A : vector<8192x128xf32>
    %select_n3A = arith.select %gt3A_8, %add3A, %mul3A_10 : vector<8192x128xi1>, vector<8192x128xf32>
    %get3A_11 = arith.constant 0 : index
    %get3A_12 = arith.constant 0 : index
    %get3A_13 = vector.load %arg3[%get3A_11, %get3A_12] : memref<128x8xf32, #tpu.memory_space<vmem>>, vector<128x8xf32>
    %dot_general3A = arith.constant dense<0.000000e+00> : vector<8192x8xf32>
    %dot_general3A_14 = tpu.matmul %select_n3A, %get3A_13, %dot_general3A {dimension_numbers = #tpu.dot_dimension_numbers<[1], [0], [0], [1], [0, 0, 1, 1], [], []>, transpose_lhs_hint = false} : vector<8192x128xf32>, vector<128x8xf32>, vector<8192x8xf32> -> vector<8192x8xf32>
    %exp3A = math.exp %dot_general3A_14 : vector<8192x8xf32>
    %reshape3A_15 = vector.shape_cast %exp3A : vector<8192x8xf32> to vector<256x32x8xf32>
    %reduce_sum3A = arith.constant dense<0.000000e+00> : vector<256x8xf32>
    %reduce_sum3A_16 = vector.multi_reduction <add>, %reshape3A_15, %reduce_sum3A [1] : vector<256x32x8xf32> to vector<256x8xf32>
    %broadcast_in_dim3A_17 = vector.shape_cast %reduce_sum3A_16 : vector<256x8xf32> to vector<256x1x8xf32>
    %add3A_18 = arith.constant 1.000000e-16 : f32
    %add3A_19 = vector.broadcast %add3A_18 : f32 to vector<256x1x8xf32>
    %add3A_20 = arith.addf %broadcast_in_dim3A_17, %add3A_19 : vector<256x1x8xf32>
    %div3A = vector.broadcast %add3A_20 : vector<256x1x8xf32> to vector<256x32x8xf32>
    %div3A_21 = arith.divf %reshape3A_15, %div3A : vector<256x32x8xf32>
    %reshape3A_22 = vector.shape_cast %div3A_21 : vector<256x32x8xf32> to vector<8192x8xf32>
    %get3A_23 = arith.constant 0 : index
    %get3A_24 = arith.constant 0 : index
    %get3A_25 = vector.load %arg4[%get3A_23, %get3A_24] : memref<8x128xf32, #tpu.memory_space<vmem>>, vector<8x128xf32>
    %dot_general3A_26 = arith.constant dense<0.000000e+00> : vector<8192x128xf32>
    %dot_general3A_27 = tpu.matmul %reshape3A_22, %get3A_25, %dot_general3A_26 {dimension_numbers = #tpu.dot_dimension_numbers<[1], [0], [0], [1], [0, 0, 1, 1], [], []>, transpose_lhs_hint = false} : vector<8192x8xf32>, vector<8x128xf32>, vector<8192x128xf32> -> vector<8192x128xf32>
    %mul3A_28 = arith.mulf %dot_general3A_27, %get3A_1 : vector<8192x128xf32>
    %reshape3A_29 = vector.shape_cast %mul3A_28 : vector<8192x128xf32> to vector<256x32x128xf32>
    %reduce_sum3A_30 = arith.constant dense<0.000000e+00> : vector<256x128xf32>
    %reduce_sum3A_31 = vector.multi_reduction <add>, %reshape3A_29, %reduce_sum3A_30 [1] : vector<256x32x128xf32> to vector<256x128xf32>
    %get3A_32 = arith.constant 0 : index
    %get3A_33 = arith.constant 0 : index
    %get3A_34 = vector.load %arg5[%get3A_32, %get3A_33] : memref<1x128xf32, #tpu.memory_space<vmem>>, vector<1x128xf32>
    %add3A_35 = vector.broadcast %get3A_34 : vector<1x128xf32> to vector<256x128xf32>
    %add3A_36 = arith.addf %reduce_sum3A_31, %add3A_35 : vector<256x128xf32>
    %max3A = arith.constant 0.000000e+00 : f32
    %max3A_37 = vector.broadcast %max3A : f32 to vector<256x128xf32>
    %max3A_38 = arith.maximumf %add3A_36, %max3A_37 : vector<256x128xf32>
    %swap3A = arith.constant 0 : index
    %swap3A_39 = arith.constant 0 : index
    %swap3A_40 = vector.load %arg7[%swap3A, %swap3A_39] : memref<256x128xf32, #tpu.memory_space<vmem>>, vector<256x128xf32>
    tpu.vector_store %arg7[%swap3A, %swap3A_39], %max3A_38 {strides = array<i32>} : memref<256x128xf32, #tpu.memory_space<vmem>>, vector<256x128xf32>,
    %get3A_41 = arith.constant 0 : index
    %get3A_42 = arith.constant 0 : index
    %get3A_43 = vector.load %arg6[%get3A_41, %get3A_42] : memref<128x512xf32, #tpu.memory_space<vmem>>, vector<128x512xf32>
    %dot_general3A_44 = arith.constant dense<0.000000e+00> : vector<256x512xf32>
    %dot_general3A_45 = tpu.matmul %max3A_38, %get3A_43, %dot_general3A_44 {dimension_numbers = #tpu.dot_dimension_numbers<[1], [0], [0], [1], [0, 0, 1, 1], [], []>, transpose_lhs_hint = false} : vector<256x128xf32>, vector<128x512xf32>, vector<256x512xf32> -> vector<256x512xf32>
    %swap3A_46 = arith.constant 0 : index
    %swap3A_47 = arith.constant 0 : index
    %swap3A_48 = vector.load %arg8[%swap3A_46, %swap3A_47] : memref<256x512xf32, #tpu.memory_space<vmem>>, vector<256x512xf32>
    tpu.vector_store %arg8[%swap3A_46, %swap3A_47], %dot_general3A_45 {strides = array<i32>} : memref<256x512xf32, #tpu.memory_space<vmem>>, vector<256x512xf32>,
    return
  }
  func.func @transform_0(%arg0: i32) -> (i32, i32) {
    %c0_i32 = arith.constant 0 : i32
    %c0_i32_0 = arith.constant 0 : i32
    return %arg0, %c0_i32 : i32, i32
  }
  func.func @transform_1(%arg0: i32) -> (i32, i32) {
    %c0_i32 = arith.constant 0 : i32
    %c0_i32_0 = arith.constant 0 : i32
    return %arg0, %c0_i32 : i32, i32
  }
  func.func @transform_2(%arg0: i32) -> (i32, i32) {
    %c0_i32 = arith.constant 0 : i32
    %c0_i32_0 = arith.constant 0 : i32
    %c0_i32_1 = arith.constant 0 : i32
    return %c0_i32, %c0_i32_0 : i32, i32
  }
  func.func @transform_3(%arg0: i32) -> (i32, i32) {
    %c0_i32 = arith.constant 0 : i32
    %c0_i32_0 = arith.constant 0 : i32
    %c0_i32_1 = arith.constant 0 : i32
    return %c0_i32, %c0_i32_0 : i32, i32
  }
  func.func @transform_4(%arg0: i32) -> (i32, i32) {
    %c0_i32 = arith.constant 0 : i32
    %c0_i32_0 = arith.constant 0 : i32
    %c0_i32_1 = arith.constant 0 : i32
    return %c0_i32, %c0_i32_0 : i32, i32
  }
  func.func @transform_5(%arg0: i32) -> (i32, i32) {
    %c0_i32 = arith.constant 0 : i32
    %c0_i32_0 = arith.constant 0 : i32
    %c0_i32_1 = arith.constant 0 : i32
    return %c0_i32, %c0_i32_0 : i32, i32
  }
  func.func @transform_6(%arg0: i32) -> (i32, i32) {
    %c0_i32 = arith.constant 0 : i32
    %c0_i32_0 = arith.constant 0 : i32
    return %arg0, %c0_i32 : i32, i32
  }
  func.func @transform_7(%arg0: i32) -> (i32, i32) {
    %c0_i32 = arith.constant 0 : i32
    %c0_i32_0 = arith.constant 0 : i32
    return %arg0, %c0_i32 : i32, i32
  }
}

module attributes {stable_mosaic.version = 14 : i64} {
  func.func @_gat2_body(%arg0: i32, %arg1: memref<4096x128xf32, #tpu.memory_space<vmem>>, %arg2: memref<128x512xf32, #tpu.memory_space<vmem>>, %arg3: memref<128x512xf32, #tpu.memory_space<vmem>>, %arg4: memref<512x8xf32, #tpu.memory_space<vmem>>, %arg5: memref<8x512xf32, #tpu.memory_space<vmem>>, %arg6: memref<1x128xf32, #tpu.memory_space<vmem>>, %arg7: memref<128x128xf32, #tpu.memory_space<vmem>>) attributes {dimension_semantics = [#tpu.dimension_semantics<arbitrary>], iteration_bounds = array<i64: 80>, scalar_prefetch = 0 : i64, scratch_operands = 0 : i64, tpu.core_type = #tpu.core_type<tc>, window_params = [{transform_indices = @transform_0, window_bounds = array<i64: 4096, 128>}, {pipeline_mode = #tpu.pipeline_mode<synchronous>, transform_indices = @transform_1, window_bounds = array<i64: 128, 512>}, {transform_indices = @transform_2, window_bounds = array<i64: 128, 512>}, {pipeline_mode = #tpu.pipeline_mode<synchronous>, transform_indices = @transform_3, window_bounds = array<i64: 512, 8>}, {pipeline_mode = #tpu.pipeline_mode<synchronous>, transform_indices = @transform_4, window_bounds = array<i64: 8, 512>}, {pipeline_mode = #tpu.pipeline_mode<synchronous>, transform_indices = @transform_5, window_bounds = array<i64: 1, 128>}, {transform_indices = @transform_6, window_bounds = array<i64: 128, 128>}]} {
    %get3A = arith.constant 0 : index
    %get3A_0 = arith.constant 0 : index
    %get3A_1 = vector.load %arg1[%get3A, %get3A_0] : memref<4096x128xf32, #tpu.memory_space<vmem>>, vector<4096x128xf32>
    %get3A_2 = arith.constant 0 : index
    %get3A_3 = arith.constant 0 : index
    %get3A_4 = vector.load %arg2[%get3A_2, %get3A_3] : memref<128x512xf32, #tpu.memory_space<vmem>>, vector<128x512xf32>
    %dot_general3A = arith.constant dense<0.000000e+00> : vector<4096x512xf32>
    %dot_general3A_5 = tpu.matmul %get3A_1, %get3A_4, %dot_general3A {dimension_numbers = #tpu.dot_dimension_numbers<[1], [0], [0], [1], [0, 0, 1, 1], [], []>, transpose_lhs_hint = false} : vector<4096x128xf32>, vector<128x512xf32>, vector<4096x512xf32> -> vector<4096x512xf32>
    %get3A_6 = arith.constant 0 : index
    %get3A_7 = arith.constant 0 : index
    %get3A_8 = vector.load %arg3[%get3A_6, %get3A_7] : memref<128x512xf32, #tpu.memory_space<vmem>>, vector<128x512xf32>
    %broadcast_in_dim3A = vector.shape_cast %get3A_8 : vector<128x512xf32> to vector<128x1x512xf32>
    %broadcast_in_dim3A_9 = vector.shape_cast %broadcast_in_dim3A : vector<128x1x512xf32> to vector<128x1x512xf32>
    %broadcast_in_dim3A_10 = vector.broadcast %broadcast_in_dim3A_9 : vector<128x1x512xf32> to vector<128x32x512xf32>
    %reshape3A = vector.shape_cast %broadcast_in_dim3A_10 : vector<128x32x512xf32> to vector<4096x512xf32>
    %add3A = arith.addf %dot_general3A_5, %reshape3A : vector<4096x512xf32>
    %gt3A = arith.constant 0.000000e+00 : f32
    %gt3A_11 = vector.broadcast %gt3A : f32 to vector<4096x512xf32>
    %gt3A_12 = arith.cmpf ogt, %add3A, %gt3A_11 : vector<4096x512xf32>
    %mul3A = arith.constant 2.000000e-01 : f32
    %mul3A_13 = vector.broadcast %mul3A : f32 to vector<4096x512xf32>
    %mul3A_14 = arith.mulf %mul3A_13, %add3A : vector<4096x512xf32>
    %select_n3A = arith.select %gt3A_12, %add3A, %mul3A_14 : vector<4096x512xi1>, vector<4096x512xf32>
    %get3A_15 = arith.constant 0 : index
    %get3A_16 = arith.constant 0 : index
    %get3A_17 = vector.load %arg4[%get3A_15, %get3A_16] : memref<512x8xf32, #tpu.memory_space<vmem>>, vector<512x8xf32>
    %dot_general3A_18 = arith.constant dense<0.000000e+00> : vector<4096x8xf32>
    %dot_general3A_19 = tpu.matmul %select_n3A, %get3A_17, %dot_general3A_18 {dimension_numbers = #tpu.dot_dimension_numbers<[1], [0], [0], [1], [0, 0, 1, 1], [], []>, transpose_lhs_hint = false} : vector<4096x512xf32>, vector<512x8xf32>, vector<4096x8xf32> -> vector<4096x8xf32>
    %exp3A = math.exp %dot_general3A_19 : vector<4096x8xf32>
    %reshape3A_20 = vector.shape_cast %exp3A : vector<4096x8xf32> to vector<128x32x8xf32>
    %reduce_sum3A = arith.constant dense<0.000000e+00> : vector<128x8xf32>
    %reduce_sum3A_21 = vector.multi_reduction <add>, %reshape3A_20, %reduce_sum3A [1] : vector<128x32x8xf32> to vector<128x8xf32>
    %broadcast_in_dim3A_22 = vector.shape_cast %reduce_sum3A_21 : vector<128x8xf32> to vector<128x1x8xf32>
    %add3A_23 = arith.constant 1.000000e-16 : f32
    %add3A_24 = vector.broadcast %add3A_23 : f32 to vector<128x1x8xf32>
    %add3A_25 = arith.addf %broadcast_in_dim3A_22, %add3A_24 : vector<128x1x8xf32>
    %div3A = vector.broadcast %add3A_25 : vector<128x1x8xf32> to vector<128x32x8xf32>
    %div3A_26 = arith.divf %reshape3A_20, %div3A : vector<128x32x8xf32>
    %reshape3A_27 = vector.shape_cast %div3A_26 : vector<128x32x8xf32> to vector<4096x8xf32>
    %get3A_28 = arith.constant 0 : index
    %get3A_29 = arith.constant 0 : index
    %get3A_30 = vector.load %arg5[%get3A_28, %get3A_29] : memref<8x512xf32, #tpu.memory_space<vmem>>, vector<8x512xf32>
    %dot_general3A_31 = arith.constant dense<0.000000e+00> : vector<4096x512xf32>
    %dot_general3A_32 = tpu.matmul %reshape3A_27, %get3A_30, %dot_general3A_31 {dimension_numbers = #tpu.dot_dimension_numbers<[1], [0], [0], [1], [0, 0, 1, 1], [], []>, transpose_lhs_hint = false} : vector<4096x8xf32>, vector<8x512xf32>, vector<4096x512xf32> -> vector<4096x512xf32>
    %mul3A_33 = arith.mulf %dot_general3A_32, %dot_general3A_5 : vector<4096x512xf32>
    %reshape3A_34 = vector.shape_cast %mul3A_33 : vector<4096x512xf32> to vector<128x32x512xf32>
    %reduce_sum3A_35 = arith.constant dense<0.000000e+00> : vector<128x512xf32>
    %reduce_sum3A_36 = vector.multi_reduction <add>, %reshape3A_34, %reduce_sum3A_35 [1] : vector<128x32x512xf32> to vector<128x512xf32>
    %slice3A = vector.extract_strided_slice %reduce_sum3A_36 {offsets = [0, 0], sizes = [128, 128], strides = [1, 1]} : vector<128x512xf32> to vector<128x128xf32>
    %slice3A_37 = vector.extract_strided_slice %reduce_sum3A_36 {offsets = [0, 128], sizes = [128, 128], strides = [1, 1]} : vector<128x512xf32> to vector<128x128xf32>
    %add3A_38 = arith.addf %slice3A, %slice3A_37 : vector<128x128xf32>
    %slice3A_39 = vector.extract_strided_slice %reduce_sum3A_36 {offsets = [0, 256], sizes = [128, 128], strides = [1, 1]} : vector<128x512xf32> to vector<128x128xf32>
    %add3A_40 = arith.addf %add3A_38, %slice3A_39 : vector<128x128xf32>
    %slice3A_41 = vector.extract_strided_slice %reduce_sum3A_36 {offsets = [0, 384], sizes = [128, 128], strides = [1, 1]} : vector<128x512xf32> to vector<128x128xf32>
    %add3A_42 = arith.addf %add3A_40, %slice3A_41 : vector<128x128xf32>
    %mul3A_43 = arith.constant 2.500000e-01 : f32
    %mul3A_44 = vector.broadcast %mul3A_43 : f32 to vector<128x128xf32>
    %mul3A_45 = arith.mulf %add3A_42, %mul3A_44 : vector<128x128xf32>
    %get3A_46 = arith.constant 0 : index
    %get3A_47 = arith.constant 0 : index
    %get3A_48 = vector.load %arg6[%get3A_46, %get3A_47] : memref<1x128xf32, #tpu.memory_space<vmem>>, vector<1x128xf32>
    %add3A_49 = vector.broadcast %get3A_48 : vector<1x128xf32> to vector<128x128xf32>
    %add3A_50 = arith.addf %mul3A_45, %add3A_49 : vector<128x128xf32>
    %swap3A = arith.constant 0 : index
    %swap3A_51 = arith.constant 0 : index
    %swap3A_52 = vector.load %arg7[%swap3A, %swap3A_51] : memref<128x128xf32, #tpu.memory_space<vmem>>, vector<128x128xf32>
    tpu.vector_store %arg7[%swap3A, %swap3A_51], %add3A_50 {strides = array<i32>} : memref<128x128xf32, #tpu.memory_space<vmem>>, vector<128x128xf32>,
    return
  }
  func.func @transform_0(%arg0: i32) -> (i32, i32) {
    %c0_i32 = arith.constant 0 : i32
    %c0_i32_0 = arith.constant 0 : i32
    return %arg0, %c0_i32 : i32, i32
  }
  func.func @transform_1(%arg0: i32) -> (i32, i32) {
    %c0_i32 = arith.constant 0 : i32
    %c0_i32_0 = arith.constant 0 : i32
    %c0_i32_1 = arith.constant 0 : i32
    return %c0_i32, %c0_i32_0 : i32, i32
  }
  func.func @transform_2(%arg0: i32) -> (i32, i32) {
    %c0_i32 = arith.constant 0 : i32
    %c0_i32_0 = arith.constant 0 : i32
    return %arg0, %c0_i32 : i32, i32
  }
  func.func @transform_3(%arg0: i32) -> (i32, i32) {
    %c0_i32 = arith.constant 0 : i32
    %c0_i32_0 = arith.constant 0 : i32
    %c0_i32_1 = arith.constant 0 : i32
    return %c0_i32, %c0_i32_0 : i32, i32
  }
  func.func @transform_4(%arg0: i32) -> (i32, i32) {
    %c0_i32 = arith.constant 0 : i32
    %c0_i32_0 = arith.constant 0 : i32
    %c0_i32_1 = arith.constant 0 : i32
    return %c0_i32, %c0_i32_0 : i32, i32
  }
  func.func @transform_5(%arg0: i32) -> (i32, i32) {
    %c0_i32 = arith.constant 0 : i32
    %c0_i32_0 = arith.constant 0 : i32
    %c0_i32_1 = arith.constant 0 : i32
    return %c0_i32, %c0_i32_0 : i32, i32
  }
  func.func @transform_6(%arg0: i32) -> (i32, i32) {
    %c0_i32 = arith.constant 0 : i32
    %c0_i32_0 = arith.constant 0 : i32
    return %arg0, %c0_i32 : i32, i32
  }
}

</mosaic_0001>

<sc_bundles>
// kernel: kernel.11.cloned.1.call-start
scs
__scs_entry_jumppad:
0x0: {  	(pc) =	sbr.rel $0x88, $3  }
0x1: {  	(tag) =	ssettag $0x0;
	lr =	simm.s32 $0x1  }
0x2: {  	[smem:$0x3F98] =	sst lr;
	_ =	strace $0xD0000000  }
0x3: {  	_ = 	snop  }
0x4: {  	_ = 	snop  }
0x5: {  	_ = 	snop  }
0x6: {  	_ = 	snop  }
0x7: {  	_ = 	snop  }
__scs_overlays_trampoline_lowered:
0x8: {  	[smem:$0x3FA7] =	sst s0  }
0x9: {  	[smem:$0x3FA8] =	sst s1  }
0xa: {  	[smem:$0x3FA9] =	sst s2  }
0xb: {  	[smem:$0x3FAA] =	sst s3  }
0xc: {  	[smem:$0x3FAB] =	sst s4  }
0xd: {  	[smem:$0x3FAC] =	sst s5  }
0xe: {  	[smem:$0x3FAD] =	sst s6  }
0xf: {  	[smem:$0x3FAE] =	sst s7  }
0x10: {  	[smem:$0x3FAF] =	sst s8  }
0x11: {  	[smem:$0x3FB0] =	sst s9;
	s0 =	simm.s32 @!p0 $0x0  }
0x12: {  	s1 =	sld [smem:$0x3F96];
	s0 =	simm.s32 @p0 $0x1  }
0x13: {  	[smem:$0x3FB1] =	sst s0;
	s0 =	simm.s32 @!p1 $0x0  }
0x14: {  	s2 =	sld [smem:$0x3F95];
	s0 =	simm.s32 @p1 $0x1  }
0x15: {  	[smem:$0x3FB2] =	sst s0;
	s0 =	simm.s32 @!p2 $0x0  }
0x16: {  	s3 =	sld [smem:$0x3FDB];
	s0 =	simm.s32 @p2 $0x1  }
0x17: {  	s4 =	simm.s32 $0x1BF5;
	[smem:$0x3FB4] =	sst s0  }
0x18: {  	s0 =	sld [smem:$0x3F97];
	_ =	swait.ge [sflag:s4], $0x0  }
0x19: {  	s7 =	sld [smem:$0x3F98]  }
0x1a: {  	s8 =	sadd.s32 $0xFFFFE003, lr  }
0x1b: {  	s9 =	sadd.s32 $0xFFFFFEF7, lr;
	s5 =	simm.s32 $0xFFFFFFFF;
	p2 =	slt.u32 s8, $0xFFFFF086  }
0x1c: {  	p1 =	slt.u32 s9, $0xF7A;
	s5 =	simm.s32 @!p2 $0x0  }
0x1d: {  	s5 =	simm.s32 @p1 $0x1;
	p0 =	seq.s32 s7, s2  }
0x1e: {  	s7 =	smul.u32 @!p0 $0xF7A, s2;
	p2 =	seq.s32 @!p0 s5, $0x0  }
0x1f: {  	s9 =	smul.u32 $0xF7A, s1;
	s8 =	simm.s32 @!p0 $0x1BF5;
	p2 =	por !p2, p0  }
0x20: {  	[sflag:s8] =	ssyncset.s32 @!p0 $0xFFFFF086;
	s6 =	sadd.s32 @!p0 s3, s7;
	s7 =	simm.s32 @!p0 $0x108  }
0x21: {  	s3 =	sadd.s32 s3, s9;
	s6 =	sadd.s32 @!p0 $0x88, s6;
	s7 =	simm.s32 @p2 $0x1082  }
0x22: {  	[simem:s7], [sflag:s8] =	dma.local @!p0 [hbm:s6], $0xF7A  }
0x23: {  	s9 =	sor.u32 $0xD0000000, s2;
	s6 =	simm.s32 $0x108;
	_ =	swait.ge @!p0 [sflag:s8], $0x0  }
0x24: {  	s3 =	sadd.s32 $0x88, s3;
	s6 =	simm.s32 @!p1 $0x1082;
	[sflag:s4] =	ssyncset.s32 $0xFFFFF086  }
0x25: {  	[simem:s6], [sflag:s4] =	dma.local [hbm:s3], $0xF7A  }
0x26: {  	[smem:$0x3F98] =	sst s1;
	(tag) =	ssettag s2;
	_ =	strace s9  }
0x27: {  	s1 =	sld [smem:$0x3FA8]  }
0x28: {  	s2 =	sld [smem:$0x3FA9]  }
0x29: {  	s4 =	sld [smem:$0x3FAB]  }
0x2a: {  	p0 =	seq.s32 s5, $0x0;
	s5 =	sld [smem:$0x3FAC]  }
0x2b: {  	s6 =	sld [smem:$0x3FAD]  }
0x2c: {  	s7 =	sld [smem:$0x3FAE]  }
0x2d: {  	s3 =	simm.s32 $0x108;
	s8 =	sld [smem:$0x3FAF]  }
0x2e: {  	s3 =	simm.s32 @!p0 $0x1082;
	s9 =	sld [smem:$0x3FB0]  }
0x2f: {  	lr =	sadd.s32 s0, s3;
	s0 =	sld [smem:$0x3FA7]  }
0x30: {  	s3 =	sld [smem:$0x3FAA]  }
0x31: {  	[smem:$0x3FB3] =	sst s10  }
0x32: {  	s10 =	sld [smem:$0x3FB1];
	_ =	sdelay $0x3  }
0x33: {  	p0 =	seq.s32 s10, $0x1;
	s10 =	sld [smem:$0x3FB3];
	_ =	sdelay $0x3  }
0x34: {  	[smem:$0x3FB3] =	sst s10  }
0x35: {  	s10 =	sld [smem:$0x3FB2];
	_ =	sdelay $0x3  }
0x36: {  	p1 =	seq.s32 s10, $0x1;
	s10 =	sld [smem:$0x3FB3];
	_ =	sdelay $0x3  }
0x37: {  	[smem:$0x3FB3] =	sst s10  }
0x38: {  	s10 =	sld [smem:$0x3FB4]  }
0x39: {  	_ = 	snop;
	(pc) =	sbr.ind lr, $3  }
0x3a: {  	_ = 	snop  }
0x3b: {  	_ = 	snop  }
0x3c: {  	p2 =	seq.s32 s10, $0x1;
	s10 =	sld [smem:$0x3FB3]  }
0x3d: {  	_ =	shalt  }
0x3e: {  	_ =	shalt  }
0x3f: {  	_ =	shalt  }
0x40: {  	_ =	shalt  }
0x41: {  	_ =	shalt  }
0x42: {  	_ =	shalt  }
0x43: {  	_ =	shalt  }
0x44: {  	_ =	shalt  }
0x45: {  	_ =	shalt  }
0x46: {  	_ =	shalt  }
0x47: {  	_ =	shalt  }
0x48: {  	_ =	shalt  }
0x49: {  	_ =	shalt  }
0x4a: {  	_ =	shalt  }
0x4b: {  	_ =	shalt  }
0x4c: {  	_ =	shalt  }
0x4d: {  	_ =	shalt  }
0x4e: {  	_ =	shalt  }
0x4f: {  	_ =	shalt  }
0x50: {  	_ =	shalt  }
0x51: {  	_ =	shalt  }
0x52: {  	_ =	shalt  }
0x53: {  	_ =	shalt  }
0x54: {  	_ =	shalt  }
0x55: {  	_ =	shalt  }
0x56: {  	_ =	shalt  }
0x57: {  	_ =	shalt  }
0x58: {  	_ =	shalt  }
0x59: {  	_ =	shalt  }
0x5a: {  	_ =	shalt  }
0x5b: {  	_ =	shalt  }
0x5c: {  	_ =	shalt  }
0x5d: {  	_ =	shalt  }
0x5e: {  	_ =	shalt  }
0x5f: {  	_ =	shalt  }
0x60: {  	_ =	shalt  }
0x61: {  	_ =	shalt  }
0x62: {  	_ =	shalt  }
0x63: {  	_ =	shalt  }
0x64: {  	_ =	shalt  }
0x65: {  	_ =	shalt  }
0x66: {  	_ =	shalt  }
0x67: {  	_ =	shalt  }
0x68: {  	_ =	shalt  }
0x69: {  	_ =	shalt  }
0x6a: {  	_ =	shalt  }
0x6b: {  	_ =	shalt  }
0x6c: {  	_ =	shalt  }
0x6d: {  	_ =	shalt  }
0x6e: {  	_ =	shalt  }
0x6f: {  	_ =	shalt  }
0x70: {  	_ =	shalt  }
0x71: {  	_ =	shalt  }
0x72: {  	_ =	shalt  }
0x73: {  	_ =	shalt  }
0x74: {  	_ =	shalt  }
0x75: {  	_ =	shalt  }
0x76: {  	_ =	shalt  }
0x77: {  	_ =	shalt  }
0x78: {  	_ =	shalt  }
0x79: {  	_ =	shalt  }
0x7a: {  	_ =	shalt  }
0x7b: {  	_ =	shalt  }
0x7c: {  	_ =	shalt  }
0x7d: {  	_ =	shalt  }
0x7e: {  	_ =	shalt  }
0x7f: {  	_ =	shalt  }
0x80: {  	_ =	shalt  }
0x81: {  	_ =	shalt  }
0x82: {  	_ =	shalt  }
0x83: {  	_ =	shalt  }
0x84: {  	_ =	shalt  }
0x85: {  	_ =	shalt  }
0x86: {  	_ =	shalt  }
0x87: {  	_ =	shalt  }
.Lfunc_end0:
.L_simem_size_0:
called_computation.1_lowered:
.L_overlay_start_0:
0x88: {  	s2 =	sld [smem:$0x3FD9]  }
0x89: {  	s3 =	sld [smem:$0x3FFE];
	_ =	sdelay $0x1  }
0x8a: {  	s1 =	srdreg.scid  }
0x8b: {  	s0 =	sand.u32 $0x1, s1  }
0x8c: {  	s14 =	sshll.u32 s0, $0xA;
	s2 =	sadd.s32 s3, s2  }
0x8d: {  	s2 =	sadd.s32 s2, s14  }
0x8e: {  	[smem:$0x3FBF] =	sst s2  }
0x8f: {  	_ = 	snop  }
0x90: {  	s2 =	sld [smem:$0x3FD0];
	_ =	sdelay $0x2  }
0x91: {  	s15 =	simm.s32 $0xA;
	s4 =	simm.s32 $0x10  }
0x92: {  	[smem:s4], [sflag:s15] =	dma.local [hbm:s2], $0x1  }
0x93: {  	_ =	swait.eq [sflag:s15], $0x1  }
0x94: {  	[sflag:s15] =	ssyncset.done $0x0  }
0x95: {  	[sflag:s15] =	ssyncadd.s32 $0xFFFFFFFF  }
0x96: {  	s16 =	sld [smem:$0x11];
	(tm) =	ssettm $0x1  }
0x97: {  	s17 =	sld [smem:$0x3FFB];
	_ =	sdelay $0x3  }
0x98: {  	_ =	strace s17  }
0x99: {  	s3 =	sld [smem:$0x3FFC];
	_ =	sdelay $0x3  }
0x9a: {  	_ =	strace s3  }
0x9b: {  	s3 =	sld [smem:$0x3FFD];
	_ =	sdelay $0x3  }
0x9c: {  	_ =	strace s3  }
0x9d: {  	_ =	strace $0x8FFFFFFF  }
0x9e: {  	s18 =	sld [smem:$0x3FDB];
	_ =	sdelay $0x1  }
0x9f: {  	s19 =	simm.s32 $_scs_section_size  }
0xa0: {  	s5 =	simm.s32 $_size__tile_overlayer_lowered;
	s6 =	simm.s32 $_tile_overlayer_lowered  }
0xa1: {  	s22 =	simm.s32 $0x1BFF;
	s21 =	sshll.u32 s6, $0x1;
	s3 =	sadd.s32 s19, s18  }
0xa2: {  	s7 =	simm.s32 $0x0;
	s20 =	sshll.u32 s5, $0x1;
	s5 =	sadd.s32 s21, s3  }
0xa3: {  	[timem:s7], [sflag:s22] =	dma.local [hbm:s5], s20  }
0xa4: {  	_ =	swait.ge [sflag:s22], s20  }
0xa5: {  	s4 =	ssub.s32 $0x0, s20;
	[sflag:s22] =	ssyncset.done $0x0  }
0xa6: {  	[sflag:s22] =	ssyncadd.s32 s4;
	_ =	sdelay $0x1  }
0xa7: {  	s23 =	simm.s32 $0x1B8B  }
0xa8: {  	_ =	swait.ge [sflag:s23], $0x1  }
0xa9: {  	[sflag:s23] =	ssyncset.done $0x0  }
0xaa: {  	s25 =	simm.s32 $0x1B8E;
	s24 =	sld [smem:$0x3FFE];
	[sflag:s23] =	ssyncadd.s32 $0xFFFFFFFF  }
0xab: {  	s26 =	simm.s32 $execute0_lowered;
	[smem:$0x3FD2] =	sst s25  }
0xac: {  	s5 =	sshll.u32 s26, $0x1;
	_ =	strace $0x80000049;
	[dreg:$0x1] =	wrdreg $0xFFFFFFFF  }
0xad: {  	s28 =	simm.s32 $_size_execute0_lowered;
	s3 =	sadd.s32 s3, s5;
	[dreg:$0x0] =	wrdreg $0x0  }
0xae: {  	s5 =	sshll.u32 s28, $0x1;
	[dreg:$0x2] =	wrdreg s3  }
0xaf: {  	[dreg:$0x3] =	wrdreg s5  }
0xb0: {  	[dreg:$0x4] =	wrdreg $0xC0  }
0xb1: {  	_ =	task [dreg:s7], $0x5FFFF  }
0xb2: {  	[dreg:$0x1] =	wrdreg $0xFFFFFFFF  }
0xb3: {  	[dreg:$0x0] =	wrdreg $0x60  }
0xb4: {  	[dreg:$0x2] =	wrdreg s24  }
0xb5: {  	[dreg:$0x3] =	wrdreg s16  }
0xb6: {  	[dreg:$0x4] =	wrdreg $0x9  }
0xb7: {  	_ =	task.clear_ibuf [dreg:s7], $0x5FFFF;
	_ =	strace $0x90000049  }
0xb8: {  	s29 =	simm.s32 $0x9;
	_ =	strace $0x8000004B  }
0xb9: {  	_ =	swait.ge [sflag:s29], $0x1  }
0xba: {  	[sflag:s29] =	ssyncadd.s32 $0xFFFFFFFF  }
0xbb: {  	_ =	strace $0x9000004B  }
0xbc: {  	_ =	sfence  }
0xbd: {  	s30 =	sld [smem:$0x0];
	_ =	sdelay $0x2  }
0xbe: {  	s31 =	sshll.u32 s1, $0xD;
	s1 =	sshrl.u32 s1, $0x2  }
0xbf: {  	s3 =	sand.u32 $0x4000, s31;
	s1 =	sadd.s32 s1, s30  }
0xc0: {  	s0 =	sor.u32 s3, s0;
	s1 =	sshll.u32 s1, $0x11  }
0xc1: {  	s0 =	sor.u32 s1, s0  }
0xc2: {  	s0 =	sadd.s32 $0x8F2B, s0  }
0xc3: {  	[sflag:s0] =	ssyncadd.remote.s32 $0x1  }
0xc4: {  	_ =	sfence.sel $0xFFFF  }
0xc5: {  	[dreg:$0x0] =	wrdreg $0xFFFFFFFF;
	(pc) =	sbr.abs _section_cstart, $3  }
0xc6: {  	[dreg:$0x1] =	wrdreg $0xFFFFFFFF  }
0xc7: {  	_ =	task.clear_ibuf [dreg:s7], $0x2FFFF;
	_ =	strace $0x9FFFFFFF  }
0xc8: {  	(tm) =	ssettm $0x7FFFFFFF  }
0xc9: {  	_ =	shalt  }
tec
execute0_lowered:
.L_overlay_start_1:
0x0: {  	(tag) =	ssettag $0x1  }
0x1: {  	s4 =	rddreg [dreg:$0x0]  }
0x2: {  	s6 =	rddreg [dreg:$0x1]  }
0x3: {  	s0 =	rddreg [dreg:$0x2];
	s1 =	stileid.u32  }
0x4: {  	s2 =	simm.s32 $0x0;
	s3 =	srdreg.scid;
	s12 =	simm.s32 $0x8200  }
0x5: {  	s13 =	simm.s32 $0x180;
	s14 =	simm.s32 $0xC200;
	s5 =	smul.u32 $0x50000, s1  }
0x6: {  	s15 =	simm.s32 $0x1;
	s7 =	sand.u32 $0x1, s3;
	s8 =	smul.u32 $0x5000, s1  }
0x7: {  	s16 =	simm.s32 $0x0;
	[smem:$0x7FF] =	sst s2;
	s10 =	smul.u32 $0x2800, s7  }
0x8: {  	s3 =	sadd.s32 $0x2E00, s4;
	s9 =	ssub.s32 $0x2, s7;
	s7 =	smul.u32 $0x28000, s7  }
0x9: {  	_ =	strace $0x8000004A;
	s11 =	sshrl.u32 s9, $0x1;
	s5 =	sadd.s32 s5, s4  }
0xa: {  	s30 =	ssub.s32 s9, s11;
	s8 =	sadd.s32 s10, s8;
	s5 =	sadd.s32 s7, s5  }
0xb: {  	s7 =	simm.s32 $0x2;
	s9 =	simm.s32 $0x200;
	s10 =	simm.s32 $0x4200  }
0xc: {  	s11 =	simm.s32 $0x100;
	s4 =	smax.u32 s30, $0x1;
	s31 =	sshrl.u32 s8, $0x3  }
0xd: {  	s5 =	sadd.s32 $0x2AE00, s5;
	s8 =	simm.s32 $0x80;
	s6 =	sadd.s32 s31, s6  }
.LBB2_1:
0xe: {  	s17 =	sadd.s32 $0x0, s6  }
0xf: {  	[tilespmem:s2], [sflag:$0x2] =	stream.linear.gather [hbm4b:s17+s2], $0x200, $0x38;
	[tilespmem:$0x10200] =	vst v63  }
0x10: {  	_ =	swait.ge [sflag:s7], $0x200  }
0x11: {  	[sflag:s7] =	ssyncset.done $0x0  }
0x12: {  	[sflag:s7] =	ssyncadd.s32 $0xFFFFFE00  }
0x13: {  	[tilespmem:s9], [sflag:$0x1] =	stream.indirect.gather [hbm4b:s3+s8], $0x80, s2, s8, $0xb8;
	[tilespmem:$0x10200] =	vst v63  }
0x14: {  	_ = 	snop  }
0x15: {  	[tilespmem:s10], [sflag:$0x1] =	stream.indirect.gather [hbm4b:s3+s8], $0x80, s8, s8, $0xb8;
	[tilespmem:$0x10200] =	vst v63  }
0x16: {  	_ = 	snop  }
0x17: {  	[tilespmem:s12], [sflag:$0x1] =	stream.indirect.gather [hbm4b:s3+s8], $0x80, s11, s8, $0xb8;
	[tilespmem:$0x10200] =	vst v63  }
0x18: {  	_ = 	snop  }
0x19: {  	[tilespmem:s14], [sflag:$0x1] =	stream.indirect.gather [hbm4b:s3+s8], $0x80, s13, s8, $0xb8;
	[tilespmem:$0x10200] =	vst v63  }
0x1a: {  	_ =	swait.ge [sflag:s15], $0x4000  }
0x1b: {  	[sflag:s15] =	ssyncset.done $0x0  }
0x1c: {  	[sflag:s15] =	ssyncadd.s32 $0xFFFFC000  }
0x1d: {  	_ =	swait.ge [sflag:s15], $0x4000  }
0x1e: {  	[sflag:s15] =	ssyncset.done $0x0  }
0x1f: {  	[sflag:s15] =	ssyncadd.s32 $0xFFFFC000  }
0x20: {  	_ =	swait.ge [sflag:s15], $0x4000  }
0x21: {  	[sflag:s15] =	ssyncset.done $0x0  }
0x22: {  	[sflag:s15] =	ssyncadd.s32 $0xFFFFC000  }
0x23: {  	_ =	swait.ge [sflag:s15], $0x4000  }
0x24: {  	[sflag:s15] =	ssyncset.done $0x0  }
0x25: {  	[sflag:s15] =	ssyncadd.s32 $0xFFFFC000  }
0x26: {  	[hbm4b:s5+s2] =	stream.linear.scatter [tilespmem:s9], [sflag:$0x2], $0x10000, $0x38;
	[tilespmem:$0x10200] =	vst v63  }
0x27: {  	s18 =	simm.s32 $0x40;
	_ =	swait.ge [sflag:s7], $0x10000  }
0x28: {  	s19 =	simm.s32 $0x80;
	s17 =	sadd.s32 $0x2000, s5;
	[sflag:s7] =	ssyncset.done $0x0  }
.LBB2_2:
0x29: {  	s20 =	sadd.s32 s18, s6  }
0x2a: {  	[sflag:s7] =	ssyncadd.s32 $0xFFFF0000;
	s18 =	smov.u32 s19;
	s21 =	sadd.s32 $0x40, s19  }
0x2b: {  	[tilespmem:s2], [sflag:$0x2] =	stream.linear.gather [hbm4b:s20+s2], $0x200, $0x38;
	[tilespmem:$0x10200] =	vst v63  }
0x2c: {  	p0 =	sne.s32 s19, $0x4C0;
	_ =	swait.ge [sflag:s7], $0x200  }
0x2d: {  	[sflag:s7] =	ssyncset.done $0x0  }
0x2e: {  	[sflag:s7] =	ssyncadd.s32 $0xFFFFFE00  }
0x2f: {  	[tilespmem:s9], [sflag:$0x1] =	stream.indirect.gather [hbm4b:s3+s8], $0x80, s2, s8, $0xb8;
	[tilespmem:$0x10200] =	vst v63  }
0x30: {  	_ = 	snop  }
0x31: {  	[tilespmem:s10], [sflag:$0x1] =	stream.indirect.gather [hbm4b:s3+s8], $0x80, s8, s8, $0xb8;
	[tilespmem:$0x10200] =	vst v63  }
0x32: {  	_ = 	snop  }
0x33: {  	[tilespmem:s12], [sflag:$0x1] =	stream.indirect.gather [hbm4b:s3+s8], $0x80, s11, s8, $0xb8;
	[tilespmem:$0x10200] =	vst v63  }
0x34: {  	_ = 	snop  }
0x35: {  	[tilespmem:s14], [sflag:$0x1] =	stream.indirect.gather [hbm4b:s3+s8], $0x80, s13, s8, $0xb8;
	[tilespmem:$0x10200] =	vst v63  }
0x36: {  	_ =	swait.ge [sflag:s15], $0x4000  }
0x37: {  	[sflag:s15] =	ssyncset.done $0x0  }
0x38: {  	[sflag:s15] =	ssyncadd.s32 $0xFFFFC000  }
0x39: {  	_ =	swait.ge [sflag:s15], $0x4000  }
0x3a: {  	[sflag:s15] =	ssyncset.done $0x0  }
0x3b: {  	[sflag:s15] =	ssyncadd.s32 $0xFFFFC000  }
0x3c: {  	_ =	swait.ge [sflag:s15], $0x4000  }
0x3d: {  	[sflag:s15] =	ssyncset.done $0x0  }
0x3e: {  	[sflag:s15] =	ssyncadd.s32 $0xFFFFC000  }
0x3f: {  	_ =	swait.ge [sflag:s15], $0x4000  }
.Ltmp0:
0x40: {  	[sflag:s15] =	ssyncset.done $0x0;
	(pc) =	sbr.rel @p0 .LBB2_2-.Ltmp0, $4  }
0x41: {  	[sflag:s15] =	ssyncadd.s32 $0xFFFFC000  }
0x42: {  	[hbm4b:s17+s2] =	stream.linear.scatter [tilespmem:s9], [sflag:$0x2], $0x10000, $0x38;
	[tilespmem:$0x10200] =	vst v63  }
0x43: {  	_ =	swait.ge [sflag:s7], $0x10000  }
0x44: {  	s19 =	smov.u32 s21;
	s17 =	sadd.s32 $0x2000, s17;
	[sflag:s7] =	ssyncset.done $0x0  }
0x45: {  	s18 =	sadd.s32 s18, s6;
	[sflag:s7] =	ssyncadd.s32 $0xFFFF0000  }
0x46: {  	[tilespmem:s2], [sflag:$0x2] =	stream.linear.gather [hbm4b:s18+s2], $0x200, $0x38;
	[tilespmem:$0x10200] =	vst v63  }
0x47: {  	_ =	swait.ge [sflag:s7], $0x200  }
0x48: {  	[sflag:s7] =	ssyncset.done $0x0  }
0x49: {  	[sflag:s7] =	ssyncadd.s32 $0xFFFFFE00  }
0x4a: {  	[tilespmem:s9], [sflag:$0x1] =	stream.indirect.gather [hbm4b:s3+s8], $0x80, s2, s8, $0xb8;
	[tilespmem:$0x10200] =	vst v63  }
0x4b: {  	_ = 	snop  }
0x4c: {  	[tilespmem:s10], [sflag:$0x1] =	stream.indirect.gather [hbm4b:s3+s8], $0x80, s8, s8, $0xb8;
	[tilespmem:$0x10200] =	vst v63  }
0x4d: {  	_ = 	snop  }
0x4e: {  	[tilespmem:s12], [sflag:$0x1] =	stream.indirect.gather [hbm4b:s3+s8], $0x80, s11, s8, $0xb8;
	[tilespmem:$0x10200] =	vst v63  }
0x4f: {  	_ = 	snop  }
0x50: {  	[tilespmem:s14], [sflag:$0x1] =	stream.indirect.gather [hbm4b:s3+s8], $0x80, s13, s8, $0xb8;
	[tilespmem:$0x10200] =	vst v63  }
0x51: {  	_ =	swait.ge [sflag:s15], $0x4000  }
0x52: {  	[sflag:s15] =	ssyncset.done $0x0  }
0x53: {  	[sflag:s15] =	ssyncadd.s32 $0xFFFFC000  }
0x54: {  	_ =	swait.ge [sflag:s15], $0x4000  }
0x55: {  	[sflag:s15] =	ssyncset.done $0x0  }
0x56: {  	[sflag:s15] =	ssyncadd.s32 $0xFFFFC000  }
0x57: {  	_ =	swait.ge [sflag:s15], $0x4000  }
0x58: {  	[sflag:s15] =	ssyncset.done $0x0  }
0x59: {  	[sflag:s15] =	ssyncadd.s32 $0xFFFFC000  }
0x5a: {  	s16 =	sadd.s32 $0x1, s16;
	_ =	swait.ge [sflag:s15], $0x4000  }
0x5b: {  	p0 =	sne.s32 s16, s4;
	[sflag:s15] =	ssyncset.done $0x0  }
.Ltmp1:
0x5c: {  	[sflag:s15] =	ssyncadd.s32 $0xFFFFC000;
	(pc) =	sbr.rel @p0 .LBB2_1-.Ltmp1, $4  }
0x5d: {  	[hbm4b:s17+s2] =	stream.linear.scatter [tilespmem:s9], [sflag:$0x2], $0x10000, $0x38;
	[tilespmem:$0x10200] =	vst v63  }
0x5e: {  	_ =	swait.ge [sflag:s7], $0x10000  }
0x5f: {  	[sflag:s7] =	ssyncset.done $0x0  }
0x60: {  	[sflag:s7] =	ssyncadd.s32 $0xFFFF0000  }
0x61: {  	_ =	sfence.sel $0x180000  }
0x62: {  	[bflag:$0x0] =	sbarrier.arrive $0xFFFF  }
0x63: {  	p0 =	sne.s32 s1, $0x0;
	_ =	strace $0x9000004A  }
0x64: {  	s0 =	sadd.s32 @!p0 $0x100000, s0;
	[bflag:$0x2] =	sbarrier.arrive $0xFFFF  }
0x65: {  	[sflag:s0] =	ssyncadd.tile.s32 @!p0 $0x1;
	_ =	shalt  }
.Lfunc_end2:
_tile_overlayer_lowered:
.L_overlay_start_2:
0x66: {  	(tag) =	ssettag $0x2  }
0x67: {  	s0 =	rddreg [dreg:$0x0];
	s2 =	stileid.u32  }
0x68: {  	s1 =	rddreg [dreg:$0x1];
	p0 =	sne.s32 s2, $0x0  }
0x69: {  	s3 =	rddreg [dreg:$0x2];
	[bflag:$0x3] =	sbarrier.arrive $0xFFFF;
	s2 =	simm.s32 @!p0 $0x1C02  }
0x6a: {  	[timem:s3], [sflag:s2] =	dma.local @!p0 [hbm:s0], s1  }
0x6b: {  	s0 =	simm.s32 @!p0 $0x2  }
0x6c: {  	_ =	swait.ge @!p0 [sflag:s0], s1  }
0x6d: {  	s1 =	ssub.s32 @!p0 $0x0, s1;
	[sflag:s0] =	ssyncset.done @!p0 $0x0  }
0x6e: {  	[sflag:s0] =	ssyncadd.s32 @!p0 s1  }
0x6f: {  	[bflag:$0x3] =	sbarrier.arrive $0xFFFF  }
0x70: {  	_ =	shalt  }

// kernel: kernel.8.cloned.1.call-start
scs
__scs_entry_jumppad:
0x0: {  	(pc) =	sbr.rel $0x88, $3  }
0x1: {  	(tag) =	ssettag $0x0;
	lr =	simm.s32 $0x1  }
0x2: {  	[smem:$0x3F98] =	sst lr;
	_ =	strace $0xD0000000  }
0x3: {  	_ = 	snop  }
0x4: {  	_ = 	snop  }
0x5: {  	_ = 	snop  }
0x6: {  	_ = 	snop  }
0x7: {  	_ = 	snop  }
__scs_overlays_trampoline_lowered:
0x8: {  	[smem:$0x3FA7] =	sst s0  }
0x9: {  	[smem:$0x3FA8] =	sst s1  }
0xa: {  	[smem:$0x3FA9] =	sst s2  }
0xb: {  	[smem:$0x3FAA] =	sst s3  }
0xc: {  	[smem:$0x3FAB] =	sst s4  }
0xd: {  	[smem:$0x3FAC] =	sst s5  }
0xe: {  	[smem:$0x3FAD] =	sst s6  }
0xf: {  	[smem:$0x3FAE] =	sst s7  }
0x10: {  	[smem:$0x3FAF] =	sst s8  }
0x11: {  	[smem:$0x3FB0] =	sst s9;
	s0 =	simm.s32 @!p0 $0x0  }
0x12: {  	s1 =	sld [smem:$0x3F96];
	s0 =	simm.s32 @p0 $0x1  }
0x13: {  	[smem:$0x3FB1] =	sst s0;
	s0 =	simm.s32 @!p1 $0x0  }
0x14: {  	s2 =	sld [smem:$0x3F95];
	s0 =	simm.s32 @p1 $0x1  }
0x15: {  	[smem:$0x3FB2] =	sst s0;
	s0 =	simm.s32 @!p2 $0x0  }
0x16: {  	s3 =	sld [smem:$0x3FDB];
	s0 =	simm.s32 @p2 $0x1  }
0x17: {  	s4 =	simm.s32 $0x1BF5;
	[smem:$0x3FB4] =	sst s0  }
0x18: {  	s0 =	sld [smem:$0x3F97];
	_ =	swait.ge [sflag:s4], $0x0  }
0x19: {  	s7 =	sld [smem:$0x3F98]  }
0x1a: {  	s8 =	sadd.s32 $0xFFFFE003, lr  }
0x1b: {  	s9 =	sadd.s32 $0xFFFFFEF7, lr;
	s5 =	simm.s32 $0xFFFFFFFF;
	p2 =	slt.u32 s8, $0xFFFFF086  }
0x1c: {  	p1 =	slt.u32 s9, $0xF7A;
	s5 =	simm.s32 @!p2 $0x0  }
0x1d: {  	s5 =	simm.s32 @p1 $0x1;
	p0 =	seq.s32 s7, s2  }
0x1e: {  	s7 =	smul.u32 @!p0 $0xF7A, s2;
	p2 =	seq.s32 @!p0 s5, $0x0  }
0x1f: {  	s9 =	smul.u32 $0xF7A, s1;
	s8 =	simm.s32 @!p0 $0x1BF5;
	p2 =	por !p2, p0  }
0x20: {  	[sflag:s8] =	ssyncset.s32 @!p0 $0xFFFFF086;
	s6 =	sadd.s32 @!p0 s3, s7;
	s7 =	simm.s32 @!p0 $0x108  }
0x21: {  	s3 =	sadd.s32 s3, s9;
	s6 =	sadd.s32 @!p0 $0x88, s6;
	s7 =	simm.s32 @p2 $0x1082  }
0x22: {  	[simem:s7], [sflag:s8] =	dma.local @!p0 [hbm:s6], $0xF7A  }
0x23: {  	s9 =	sor.u32 $0xD0000000, s2;
	s6 =	simm.s32 $0x108;
	_ =	swait.ge @!p0 [sflag:s8], $0x0  }
0x24: {  	s3 =	sadd.s32 $0x88, s3;
	s6 =	simm.s32 @!p1 $0x1082;
	[sflag:s4] =	ssyncset.s32 $0xFFFFF086  }
0x25: {  	[simem:s6], [sflag:s4] =	dma.local [hbm:s3], $0xF7A  }
0x26: {  	[smem:$0x3F98] =	sst s1;
	(tag) =	ssettag s2;
	_ =	strace s9  }
0x27: {  	s1 =	sld [smem:$0x3FA8]  }
0x28: {  	s2 =	sld [smem:$0x3FA9]  }
0x29: {  	s4 =	sld [smem:$0x3FAB]  }
0x2a: {  	p0 =	seq.s32 s5, $0x0;
	s5 =	sld [smem:$0x3FAC]  }
0x2b: {  	s6 =	sld [smem:$0x3FAD]  }
0x2c: {  	s7 =	sld [smem:$0x3FAE]  }
0x2d: {  	s3 =	simm.s32 $0x108;
	s8 =	sld [smem:$0x3FAF]  }
0x2e: {  	s3 =	simm.s32 @!p0 $0x1082;
	s9 =	sld [smem:$0x3FB0]  }
0x2f: {  	lr =	sadd.s32 s0, s3;
	s0 =	sld [smem:$0x3FA7]  }
0x30: {  	s3 =	sld [smem:$0x3FAA]  }
0x31: {  	[smem:$0x3FB3] =	sst s10  }
0x32: {  	s10 =	sld [smem:$0x3FB1];
	_ =	sdelay $0x3  }
0x33: {  	p0 =	seq.s32 s10, $0x1;
	s10 =	sld [smem:$0x3FB3];
	_ =	sdelay $0x3  }
0x34: {  	[smem:$0x3FB3] =	sst s10  }
0x35: {  	s10 =	sld [smem:$0x3FB2];
	_ =	sdelay $0x3  }
0x36: {  	p1 =	seq.s32 s10, $0x1;
	s10 =	sld [smem:$0x3FB3];
	_ =	sdelay $0x3  }
0x37: {  	[smem:$0x3FB3] =	sst s10  }
0x38: {  	s10 =	sld [smem:$0x3FB4]  }
0x39: {  	_ = 	snop;
	(pc) =	sbr.ind lr, $3  }
0x3a: {  	_ = 	snop  }
0x3b: {  	_ = 	snop  }
0x3c: {  	p2 =	seq.s32 s10, $0x1;
	s10 =	sld [smem:$0x3FB3]  }
0x3d: {  	_ =	shalt  }
0x3e: {  	_ =	shalt  }
0x3f: {  	_ =	shalt  }
0x40: {  	_ =	shalt  }
0x41: {  	_ =	shalt  }
0x42: {  	_ =	shalt  }
0x43: {  	_ =	shalt  }
0x44: {  	_ =	shalt  }
0x45: {  	_ =	shalt  }
0x46: {  	_ =	shalt  }
0x47: {  	_ =	shalt  }
0x48: {  	_ =	shalt  }
0x49: {  	_ =	shalt  }
0x4a: {  	_ =	shalt  }
0x4b: {  	_ =	shalt  }
0x4c: {  	_ =	shalt  }
0x4d: {  	_ =	shalt  }
0x4e: {  	_ =	shalt  }
0x4f: {  	_ =	shalt  }
0x50: {  	_ =	shalt  }
0x51: {  	_ =	shalt  }
0x52: {  	_ =	shalt  }
0x53: {  	_ =	shalt  }
0x54: {  	_ =	shalt  }
0x55: {  	_ =	shalt  }
0x56: {  	_ =	shalt  }
0x57: {  	_ =	shalt  }
0x58: {  	_ =	shalt  }
0x59: {  	_ =	shalt  }
0x5a: {  	_ =	shalt  }
0x5b: {  	_ =	shalt  }
0x5c: {  	_ =	shalt  }
0x5d: {  	_ =	shalt  }
0x5e: {  	_ =	shalt  }
0x5f: {  	_ =	shalt  }
0x60: {  	_ =	shalt  }
0x61: {  	_ =	shalt  }
0x62: {  	_ =	shalt  }
0x63: {  	_ =	shalt  }
0x64: {  	_ =	shalt  }
0x65: {  	_ =	shalt  }
0x66: {  	_ =	shalt  }
0x67: {  	_ =	shalt  }
0x68: {  	_ =	shalt  }
0x69: {  	_ =	shalt  }
0x6a: {  	_ =	shalt  }
0x6b: {  	_ =	shalt  }
0x6c: {  	_ =	shalt  }
0x6d: {  	_ =	shalt  }
0x6e: {  	_ =	shalt  }
0x6f: {  	_ =	shalt  }
0x70: {  	_ =	shalt  }
0x71: {  	_ =	shalt  }
0x72: {  	_ =	shalt  }
0x73: {  	_ =	shalt  }
0x74: {  	_ =	shalt  }
0x75: {  	_ =	shalt  }
0x76: {  	_ =	shalt  }
0x77: {  	_ =	shalt  }
0x78: {  	_ =	shalt  }
0x79: {  	_ =	shalt  }
0x7a: {  	_ =	shalt  }
0x7b: {  	_ =	shalt  }
0x7c: {  	_ =	shalt  }
0x7d: {  	_ =	shalt  }
0x7e: {  	_ =	shalt  }
0x7f: {  	_ =	shalt  }
0x80: {  	_ =	shalt  }
0x81: {  	_ =	shalt  }
0x82: {  	_ =	shalt  }
0x83: {  	_ =	shalt  }
0x84: {  	_ =	shalt  }
0x85: {  	_ =	shalt  }
0x86: {  	_ =	shalt  }
0x87: {  	_ =	shalt  }
.Lfunc_end0:
.L_simem_size_0:
called_computation_lowered:
.L_overlay_start_0:
0x88: {  	s2 =	sld [smem:$0x3FD9]  }
0x89: {  	s3 =	sld [smem:$0x3FFE];
	_ =	sdelay $0x1  }
0x8a: {  	s1 =	srdreg.scid  }
0x8b: {  	s0 =	sand.u32 $0x1, s1  }
0x8c: {  	s14 =	sshll.u32 s0, $0xA;
	s2 =	sadd.s32 s3, s2  }
0x8d: {  	s2 =	sadd.s32 s2, s14  }
0x8e: {  	[smem:$0x3FBF] =	sst s2  }
0x8f: {  	_ = 	snop  }
0x90: {  	s2 =	sld [smem:$0x3FD0];
	_ =	sdelay $0x2  }
0x91: {  	s15 =	simm.s32 $0xA;
	s4 =	simm.s32 $0x10  }
0x92: {  	[smem:s4], [sflag:s15] =	dma.local [hbm:s2], $0x1  }
0x93: {  	_ =	swait.eq [sflag:s15], $0x1  }
0x94: {  	[sflag:s15] =	ssyncset.done $0x0  }
0x95: {  	[sflag:s15] =	ssyncadd.s32 $0xFFFFFFFF  }
0x96: {  	s16 =	sld [smem:$0x11];
	(tm) =	ssettm $0x1  }
0x97: {  	s17 =	sld [smem:$0x3FFB];
	_ =	sdelay $0x3  }
0x98: {  	_ =	strace s17  }
0x99: {  	s3 =	sld [smem:$0x3FFC];
	_ =	sdelay $0x3  }
0x9a: {  	_ =	strace s3  }
0x9b: {  	s3 =	sld [smem:$0x3FFD];
	_ =	sdelay $0x3  }
0x9c: {  	_ =	strace s3  }
0x9d: {  	_ =	strace $0x8FFFFFFF  }
0x9e: {  	s18 =	sld [smem:$0x3FDB];
	_ =	sdelay $0x1  }
0x9f: {  	s19 =	simm.s32 $_scs_section_size  }
0xa0: {  	s5 =	simm.s32 $_size__tile_overlayer_lowered;
	s6 =	simm.s32 $_tile_overlayer_lowered  }
0xa1: {  	s22 =	simm.s32 $0x1BFF;
	s21 =	sshll.u32 s6, $0x1;
	s3 =	sadd.s32 s19, s18  }
0xa2: {  	s7 =	simm.s32 $0x0;
	s20 =	sshll.u32 s5, $0x1;
	s5 =	sadd.s32 s21, s3  }
0xa3: {  	[timem:s7], [sflag:s22] =	dma.local [hbm:s5], s20  }
0xa4: {  	_ =	swait.ge [sflag:s22], s20  }
0xa5: {  	s4 =	ssub.s32 $0x0, s20;
	[sflag:s22] =	ssyncset.done $0x0  }
0xa6: {  	[sflag:s22] =	ssyncadd.s32 s4;
	_ =	sdelay $0x1  }
0xa7: {  	s23 =	simm.s32 $0x1B8B  }
0xa8: {  	_ =	swait.ge [sflag:s23], $0x1  }
0xa9: {  	[sflag:s23] =	ssyncset.done $0x0  }
0xaa: {  	s25 =	simm.s32 $0x1B8E;
	s24 =	sld [smem:$0x3FFE];
	[sflag:s23] =	ssyncadd.s32 $0xFFFFFFFF  }
0xab: {  	s26 =	simm.s32 $execute0_lowered;
	[smem:$0x3FD2] =	sst s25  }
0xac: {  	s5 =	sshll.u32 s26, $0x1;
	_ =	strace $0x80000046;
	[dreg:$0x1] =	wrdreg $0xFFFFFFFF  }
0xad: {  	s28 =	simm.s32 $_size_execute0_lowered;
	s3 =	sadd.s32 s3, s5;
	[dreg:$0x0] =	wrdreg $0x0  }
0xae: {  	s5 =	sshll.u32 s28, $0x1;
	[dreg:$0x2] =	wrdreg s3  }
0xaf: {  	[dreg:$0x3] =	wrdreg s5  }
0xb0: {  	[dreg:$0x4] =	wrdreg $0xC0  }
0xb1: {  	_ =	task [dreg:s7], $0x5FFFF  }
0xb2: {  	[dreg:$0x1] =	wrdreg $0xFFFFFFFF  }
0xb3: {  	[dreg:$0x0] =	wrdreg $0x60  }
0xb4: {  	[dreg:$0x2] =	wrdreg s24  }
0xb5: {  	[dreg:$0x3] =	wrdreg s16  }
0xb6: {  	[dreg:$0x4] =	wrdreg $0x9  }
0xb7: {  	_ =	task.clear_ibuf [dreg:s7], $0x5FFFF;
	_ =	strace $0x90000046  }
0xb8: {  	s29 =	simm.s32 $0x9;
	_ =	strace $0x80000048  }
0xb9: {  	_ =	swait.ge [sflag:s29], $0x1  }
0xba: {  	[sflag:s29] =	ssyncadd.s32 $0xFFFFFFFF  }
0xbb: {  	_ =	strace $0x90000048  }
0xbc: {  	_ =	sfence  }
0xbd: {  	s30 =	sld [smem:$0x0];
	_ =	sdelay $0x2  }
0xbe: {  	s31 =	sshll.u32 s1, $0xD;
	s1 =	sshrl.u32 s1, $0x2  }
0xbf: {  	s3 =	sand.u32 $0x4000, s31;
	s1 =	sadd.s32 s1, s30  }
0xc0: {  	s0 =	sor.u32 s3, s0;
	s1 =	sshll.u32 s1, $0x11  }
0xc1: {  	s0 =	sor.u32 s1, s0  }
0xc2: {  	s0 =	sadd.s32 $0x8F2B, s0  }
0xc3: {  	[sflag:s0] =	ssyncadd.remote.s32 $0x1  }
0xc4: {  	_ =	sfence.sel $0xFFFF  }
0xc5: {  	[dreg:$0x0] =	wrdreg $0xFFFFFFFF;
	(pc) =	sbr.abs _section_cstart, $3  }
0xc6: {  	[dreg:$0x1] =	wrdreg $0xFFFFFFFF  }
0xc7: {  	_ =	task.clear_ibuf [dreg:s7], $0x2FFFF;
	_ =	strace $0x9FFFFFFF  }
0xc8: {  	(tm) =	ssettm $0x7FFFFFFF  }
0xc9: {  	_ =	shalt  }
tec
execute0_lowered:
.L_overlay_start_1:
0x0: {  	(tag) =	ssettag $0x1  }
0x1: {  	s4 =	rddreg [dreg:$0x0]  }
0x2: {  	s6 =	rddreg [dreg:$0x1]  }
0x3: {  	s0 =	rddreg [dreg:$0x2];
	s1 =	stileid.u32  }
0x4: {  	s2 =	simm.s32 $0x0;
	s3 =	srdreg.scid;
	s12 =	simm.s32 $0x8200  }
0x5: {  	s13 =	simm.s32 $0x180;
	s14 =	simm.s32 $0xC200;
	s5 =	smul.u32 $0x50000, s1  }
0x6: {  	s15 =	simm.s32 $0x1;
	s7 =	sand.u32 $0x1, s3;
	s8 =	smul.u32 $0x5000, s1  }
0x7: {  	s16 =	simm.s32 $0x0;
	[smem:$0x7FF] =	sst s2;
	s10 =	smul.u32 $0x2800, s7  }
0x8: {  	s3 =	sadd.s32 $0x2E00, s4;
	s9 =	ssub.s32 $0x2, s7;
	s7 =	smul.u32 $0x28000, s7  }
0x9: {  	_ =	strace $0x80000047;
	s11 =	sshrl.u32 s9, $0x1;
	s5 =	sadd.s32 s5, s4  }
0xa: {  	s30 =	ssub.s32 s9, s11;
	s8 =	sadd.s32 s10, s8;
	s5 =	sadd.s32 s7, s5  }
0xb: {  	s7 =	simm.s32 $0x2;
	s9 =	simm.s32 $0x200;
	s10 =	simm.s32 $0x4200  }
0xc: {  	s11 =	simm.s32 $0x100;
	s4 =	smax.u32 s30, $0x1;
	s31 =	sshrl.u32 s8, $0x3  }
0xd: {  	s5 =	sadd.s32 $0x52E00, s5;
	s8 =	simm.s32 $0x80;
	s6 =	sadd.s32 s31, s6  }
.LBB2_1:
0xe: {  	s17 =	sadd.s32 $0x0, s6  }
0xf: {  	[tilespmem:s2], [sflag:$0x2] =	stream.linear.gather [hbm4b:s17+s2], $0x200, $0x38;
	[tilespmem:$0x10200] =	vst v63  }
0x10: {  	_ =	swait.ge [sflag:s7], $0x200  }
0x11: {  	[sflag:s7] =	ssyncset.done $0x0  }
0x12: {  	[sflag:s7] =	ssyncadd.s32 $0xFFFFFE00  }
0x13: {  	[tilespmem:s9], [sflag:$0x1] =	stream.indirect.gather [hbm4b:s3+s8], $0x80, s2, s8, $0xb8;
	[tilespmem:$0x10200] =	vst v63  }
0x14: {  	_ = 	snop  }
0x15: {  	[tilespmem:s10], [sflag:$0x1] =	stream.indirect.gather [hbm4b:s3+s8], $0x80, s8, s8, $0xb8;
	[tilespmem:$0x10200] =	vst v63  }
0x16: {  	_ = 	snop  }
0x17: {  	[tilespmem:s12], [sflag:$0x1] =	stream.indirect.gather [hbm4b:s3+s8], $0x80, s11, s8, $0xb8;
	[tilespmem:$0x10200] =	vst v63  }
0x18: {  	_ = 	snop  }
0x19: {  	[tilespmem:s14], [sflag:$0x1] =	stream.indirect.gather [hbm4b:s3+s8], $0x80, s13, s8, $0xb8;
	[tilespmem:$0x10200] =	vst v63  }
0x1a: {  	_ =	swait.ge [sflag:s15], $0x4000  }
0x1b: {  	[sflag:s15] =	ssyncset.done $0x0  }
0x1c: {  	[sflag:s15] =	ssyncadd.s32 $0xFFFFC000  }
0x1d: {  	_ =	swait.ge [sflag:s15], $0x4000  }
0x1e: {  	[sflag:s15] =	ssyncset.done $0x0  }
0x1f: {  	[sflag:s15] =	ssyncadd.s32 $0xFFFFC000  }
0x20: {  	_ =	swait.ge [sflag:s15], $0x4000  }
0x21: {  	[sflag:s15] =	ssyncset.done $0x0  }
0x22: {  	[sflag:s15] =	ssyncadd.s32 $0xFFFFC000  }
0x23: {  	_ =	swait.ge [sflag:s15], $0x4000  }
0x24: {  	[sflag:s15] =	ssyncset.done $0x0  }
0x25: {  	[sflag:s15] =	ssyncadd.s32 $0xFFFFC000  }
0x26: {  	[hbm4b:s5+s2] =	stream.linear.scatter [tilespmem:s9], [sflag:$0x2], $0x10000, $0x38;
	[tilespmem:$0x10200] =	vst v63  }
0x27: {  	s18 =	simm.s32 $0x40;
	_ =	swait.ge [sflag:s7], $0x10000  }
0x28: {  	s19 =	simm.s32 $0x80;
	s17 =	sadd.s32 $0x2000, s5;
	[sflag:s7] =	ssyncset.done $0x0  }
.LBB2_2:
0x29: {  	s20 =	sadd.s32 s18, s6  }
0x2a: {  	[sflag:s7] =	ssyncadd.s32 $0xFFFF0000;
	s18 =	smov.u32 s19;
	s21 =	sadd.s32 $0x40, s19  }
0x2b: {  	[tilespmem:s2], [sflag:$0x2] =	stream.linear.gather [hbm4b:s20+s2], $0x200, $0x38;
	[tilespmem:$0x10200] =	vst v63  }
0x2c: {  	p0 =	sne.s32 s19, $0x4C0;
	_ =	swait.ge [sflag:s7], $0x200  }
0x2d: {  	[sflag:s7] =	ssyncset.done $0x0  }
0x2e: {  	[sflag:s7] =	ssyncadd.s32 $0xFFFFFE00  }
0x2f: {  	[tilespmem:s9], [sflag:$0x1] =	stream.indirect.gather [hbm4b:s3+s8], $0x80, s2, s8, $0xb8;
	[tilespmem:$0x10200] =	vst v63  }
0x30: {  	_ = 	snop  }
0x31: {  	[tilespmem:s10], [sflag:$0x1] =	stream.indirect.gather [hbm4b:s3+s8], $0x80, s8, s8, $0xb8;
	[tilespmem:$0x10200] =	vst v63  }
0x32: {  	_ = 	snop  }
0x33: {  	[tilespmem:s12], [sflag:$0x1] =	stream.indirect.gather [hbm4b:s3+s8], $0x80, s11, s8, $0xb8;
	[tilespmem:$0x10200] =	vst v63  }
0x34: {  	_ = 	snop  }
0x35: {  	[tilespmem:s14], [sflag:$0x1] =	stream.indirect.gather [hbm4b:s3+s8], $0x80, s13, s8, $0xb8;
	[tilespmem:$0x10200] =	vst v63  }
0x36: {  	_ =	swait.ge [sflag:s15], $0x4000  }
0x37: {  	[sflag:s15] =	ssyncset.done $0x0  }
0x38: {  	[sflag:s15] =	ssyncadd.s32 $0xFFFFC000  }
0x39: {  	_ =	swait.ge [sflag:s15], $0x4000  }
0x3a: {  	[sflag:s15] =	ssyncset.done $0x0  }
0x3b: {  	[sflag:s15] =	ssyncadd.s32 $0xFFFFC000  }
0x3c: {  	_ =	swait.ge [sflag:s15], $0x4000  }
0x3d: {  	[sflag:s15] =	ssyncset.done $0x0  }
0x3e: {  	[sflag:s15] =	ssyncadd.s32 $0xFFFFC000  }
0x3f: {  	_ =	swait.ge [sflag:s15], $0x4000  }
.Ltmp0:
0x40: {  	[sflag:s15] =	ssyncset.done $0x0;
	(pc) =	sbr.rel @p0 .LBB2_2-.Ltmp0, $4  }
0x41: {  	[sflag:s15] =	ssyncadd.s32 $0xFFFFC000  }
0x42: {  	[hbm4b:s17+s2] =	stream.linear.scatter [tilespmem:s9], [sflag:$0x2], $0x10000, $0x38;
	[tilespmem:$0x10200] =	vst v63  }
0x43: {  	_ =	swait.ge [sflag:s7], $0x10000  }
0x44: {  	s19 =	smov.u32 s21;
	s17 =	sadd.s32 $0x2000, s17;
	[sflag:s7] =	ssyncset.done $0x0  }
0x45: {  	s18 =	sadd.s32 s18, s6;
	[sflag:s7] =	ssyncadd.s32 $0xFFFF0000  }
0x46: {  	[tilespmem:s2], [sflag:$0x2] =	stream.linear.gather [hbm4b:s18+s2], $0x200, $0x38;
	[tilespmem:$0x10200] =	vst v63  }
0x47: {  	_ =	swait.ge [sflag:s7], $0x200  }
0x48: {  	[sflag:s7] =	ssyncset.done $0x0  }
0x49: {  	[sflag:s7] =	ssyncadd.s32 $0xFFFFFE00  }
0x4a: {  	[tilespmem:s9], [sflag:$0x1] =	stream.indirect.gather [hbm4b:s3+s8], $0x80, s2, s8, $0xb8;
	[tilespmem:$0x10200] =	vst v63  }
0x4b: {  	_ = 	snop  }
0x4c: {  	[tilespmem:s10], [sflag:$0x1] =	stream.indirect.gather [hbm4b:s3+s8], $0x80, s8, s8, $0xb8;
	[tilespmem:$0x10200] =	vst v63  }
0x4d: {  	_ = 	snop  }
0x4e: {  	[tilespmem:s12], [sflag:$0x1] =	stream.indirect.gather [hbm4b:s3+s8], $0x80, s11, s8, $0xb8;
	[tilespmem:$0x10200] =	vst v63  }
0x4f: {  	_ = 	snop  }
0x50: {  	[tilespmem:s14], [sflag:$0x1] =	stream.indirect.gather [hbm4b:s3+s8], $0x80, s13, s8, $0xb8;
	[tilespmem:$0x10200] =	vst v63  }
0x51: {  	_ =	swait.ge [sflag:s15], $0x4000  }
0x52: {  	[sflag:s15] =	ssyncset.done $0x0  }
0x53: {  	[sflag:s15] =	ssyncadd.s32 $0xFFFFC000  }
0x54: {  	_ =	swait.ge [sflag:s15], $0x4000  }
0x55: {  	[sflag:s15] =	ssyncset.done $0x0  }
0x56: {  	[sflag:s15] =	ssyncadd.s32 $0xFFFFC000  }
0x57: {  	_ =	swait.ge [sflag:s15], $0x4000  }
0x58: {  	[sflag:s15] =	ssyncset.done $0x0  }
0x59: {  	[sflag:s15] =	ssyncadd.s32 $0xFFFFC000  }
0x5a: {  	s16 =	sadd.s32 $0x1, s16;
	_ =	swait.ge [sflag:s15], $0x4000  }
0x5b: {  	p0 =	sne.s32 s16, s4;
	[sflag:s15] =	ssyncset.done $0x0  }
.Ltmp1:
0x5c: {  	[sflag:s15] =	ssyncadd.s32 $0xFFFFC000;
	(pc) =	sbr.rel @p0 .LBB2_1-.Ltmp1, $4  }
0x5d: {  	[hbm4b:s17+s2] =	stream.linear.scatter [tilespmem:s9], [sflag:$0x2], $0x10000, $0x38;
	[tilespmem:$0x10200] =	vst v63  }
0x5e: {  	_ =	swait.ge [sflag:s7], $0x10000  }
0x5f: {  	[sflag:s7] =	ssyncset.done $0x0  }
0x60: {  	[sflag:s7] =	ssyncadd.s32 $0xFFFF0000  }
0x61: {  	_ =	sfence.sel $0x180000  }
0x62: {  	[bflag:$0x0] =	sbarrier.arrive $0xFFFF  }
0x63: {  	p0 =	sne.s32 s1, $0x0;
	_ =	strace $0x90000047  }
0x64: {  	s0 =	sadd.s32 @!p0 $0x100000, s0;
	[bflag:$0x2] =	sbarrier.arrive $0xFFFF  }
0x65: {  	[sflag:s0] =	ssyncadd.tile.s32 @!p0 $0x1;
	_ =	shalt  }
.Lfunc_end2:
_tile_overlayer_lowered:
.L_overlay_start_2:
0x66: {  	(tag) =	ssettag $0x2  }
0x67: {  	s0 =	rddreg [dreg:$0x0];
	s2 =	stileid.u32  }
0x68: {  	s1 =	rddreg [dreg:$0x1];
	p0 =	sne.s32 s2, $0x0  }
0x69: {  	s3 =	rddreg [dreg:$0x2];
	[bflag:$0x3] =	sbarrier.arrive $0xFFFF;
	s2 =	simm.s32 @!p0 $0x1C02  }
0x6a: {  	[timem:s3], [sflag:s2] =	dma.local @!p0 [hbm:s0], s1  }
0x6b: {  	s0 =	simm.s32 @!p0 $0x2  }
0x6c: {  	_ =	swait.ge @!p0 [sflag:s0], s1  }
0x6d: {  	s1 =	ssub.s32 @!p0 $0x0, s1;
	[sflag:s0] =	ssyncset.done @!p0 $0x0  }
0x6e: {  	[sflag:s0] =	ssyncadd.s32 @!p0 s1  }
0x6f: {  	[bflag:$0x3] =	sbarrier.arrive $0xFFFF  }
0x70: {  	_ =	shalt  }

</sc_bundles>
